<compile_context>
chip_gen: v7x
topology: tpu7x:2x2x1
jax: 0.10.2.dev20260603
libtpu: 0.0.44.dev20260713+nightly
codegen_flags: <defaults>
</compile_context>

<pallas_src>
import functools

import jax
import jax.numpy as jnp
from jax import lax
from jax.experimental import pallas as pl
from jax.experimental.pallas import tpu as pltpu
from jax.experimental.pallas import tpu_sc as plsc

_BATCH = 16384
_CHUNK = 128
_TABLE = 1000


@functools.cache
def _build_kernel():
    info = plsc.get_sparse_core_info()
    num_cores, num_subcores = info.num_cores, info.num_subcores
    num_workers = num_cores * num_subcores
    b_per_w = _BATCH // num_workers
    n_chunks = b_per_w // _CHUNK

    mesh = plsc.VectorSubcoreMesh(core_axis_name="c", subcore_axis_name="s")

    @functools.partial(
        pl.kernel,
        mesh=mesh,
        out_type=(
            jax.ShapeDtypeStruct((num_workers, n_chunks, _CHUNK), jnp.float32),
            jax.ShapeDtypeStruct((num_workers, n_chunks, _CHUNK), jnp.float32),
        ),
        scratch_types=[
            pltpu.VMEM((n_chunks, _CHUNK), jnp.int32),
            pltpu.VMEM((n_chunks, _CHUNK), jnp.float32),
            pltpu.VMEM((n_chunks, _CHUNK), jnp.float32),
            pltpu.VMEM_SHARED((_TABLE,), jnp.float32),
            pltpu.VMEM_SHARED((_TABLE,), jnp.float32),
            pltpu.SemaphoreType.DMA,
            pltpu.SemaphoreType.DMA,
            pltpu.SemaphoreType.DMA,
            pltpu.SemaphoreType.DMA,
        ],
    )
    def ddpm_lookup(
        t_hbm,
        beta_hbm,
        alpha_hbm,
        beta_out_hbm,
        alpha_out_hbm,
        idx_v,
        beta_o_v,
        alpha_o_v,
        beta_s,
        alpha_s,
        gsem,
        asem,
        osem,
        isem,
    ):
        sid = lax.axis_index("s")
        wid = sid * num_cores + lax.axis_index("c")

        @pl.when(sid == 0)
        def _stage_beta():
            pltpu.sync_copy(beta_hbm, beta_s)

        @pl.when(sid == 1)
        def _stage_alpha():
            pltpu.sync_copy(alpha_hbm, alpha_s)

        idx_copies = [
            pltpu.async_copy(t_hbm.at[wid, j], idx_v.at[j], isem)
            for j in range(n_chunks)
        ]
        plsc.subcore_barrier()
        beta_gathers = []
        alpha_gathers = []
        for j in range(n_chunks):
            idx_copies[j].wait()
            beta_gathers.append(
                pltpu.async_copy(beta_s.at[idx_v.at[j]], beta_o_v.at[j], gsem)
            )
            alpha_gathers.append(
                pltpu.async_copy(alpha_s.at[idx_v.at[j]], alpha_o_v.at[j], asem)
            )
        outs = []
        for j in range(n_chunks):
            beta_gathers[j].wait()
            outs.append(
                pltpu.async_copy(beta_o_v.at[j], beta_out_hbm.at[wid, j], osem)
            )
            alpha_gathers[j].wait()
            outs.append(
                pltpu.async_copy(alpha_o_v.at[j], alpha_out_hbm.at[wid, j], osem)
            )
        for d in outs:
            d.wait()

    return ddpm_lookup, num_workers, n_chunks


def kernel(t, beta, alpha):
    fn, num_workers, n_chunks = _build_kernel()
    t3 = t.astype(jnp.int32).reshape(num_workers, n_chunks, _CHUNK)
    beta_t, alpha_t = fn(t3, beta, alpha)
    return beta_t.reshape(_BATCH), alpha_t.reshape(_BATCH)

# --- scband reference (transcript-rebuilt; emitter-appended) ---
"""Pipeline reference for scband-ddpmscheduler-1314259992864 (READ-ONLY COPY).

The authoritative reference and input builder live on the scoring server;
editing this copy changes nothing except your own understanding.
"""

import jax, jax.numpy as jnp
import numpy as np

NUM_TIME_STEPS = 1000
BATCH = 16384

def setup_inputs(seed: int = 0) -> dict:
    key = jax.random.key(seed)
    t = jax.random.randint(key, (BATCH,), 0, NUM_TIME_STEPS, dtype=jnp.int64 if jax.config.jax_enable_x64 else jnp.int32)
    beta = jnp.linspace(0.0001, 0.02, NUM_TIME_STEPS, dtype=jnp.float32)
    alpha = jnp.cumprod(1.0 - beta, axis=0)
    return {"t": t, "beta": beta, "alpha": alpha}

def reference(t, beta, alpha):
    # Faithful translation of DDPMScheduler.forward: gather beta[t], alpha[t]
    beta_t = jnp.take(beta, t, axis=0)
    alpha_t = jnp.take(alpha, t, axis=0)
    return (beta_t, alpha_t)

if __name__ == "__main__":
    import jax
    _d = setup_inputs()
    print(jax.jit(kernel)(*tuple(_d.values())))

</pallas_src>

<mosaic_0001>
#map = affine_map<(d0, d1) -> (0, 0, 0)>
#map1 = affine_map<(d0, d1) -> (0)>
module attributes {stable_mosaic.version = 14 : i64} {
  func.func @ddpm_lookup(%arg0: i32, %arg1: i32, %arg2: memref<32x4x128xi32, #tpu.memory_space<hbm>>, %arg3: memref<1000xf32, #tpu.memory_space<hbm>>, %arg4: memref<1000xf32, #tpu.memory_space<hbm>>, %arg5: memref<32x4x128xf32, #tpu.memory_space<hbm>>, %arg6: memref<32x4x128xf32, #tpu.memory_space<hbm>>, %arg7: memref<4x128xi32, #tpu.memory_space<vmem>>, %arg8: memref<4x128xf32, #tpu.memory_space<vmem>>, %arg9: memref<4x128xf32, #tpu.memory_space<vmem>>, %arg10: memref<1000xf32, #tpu.memory_space<vmem_shared>>, %arg11: memref<1000xf32, #tpu.memory_space<vmem_shared>>, %arg12: memref<!tpu.dma_semaphore, #tpu.memory_space<semaphore_mem>>, %arg13: memref<!tpu.dma_semaphore, #tpu.memory_space<semaphore_mem>>, %arg14: memref<!tpu.dma_semaphore, #tpu.memory_space<semaphore_mem>>, %arg15: memref<!tpu.dma_semaphore, #tpu.memory_space<semaphore_mem>>) attributes {dimension_semantics = [#tpu.dimension_semantics<core_parallel>, #tpu.dimension_semantics<subcore_parallel>], iteration_bounds = array<i64: 2, 16>, scalar_prefetch = 0 : i64, scratch_operands = 9 : i64, tpu.core_type = #tpu.core_type<sc_vector_subcore>, window_params = [{transform_indices = #map}, {transform_indices = #map1}, {transform_indices = #map1}, {transform_indices = #map}, {transform_indices = #map}]} {
    %mul3A = arith.constant 2 : i32
    %mul3A_0 = arith.muli %arg1, %mul3A : i32
    %add3A = arith.addi %mul3A_0, %arg0 : i32
    %eq3A = arith.constant 0 : i32
    %eq3A_1 = arith.cmpi eq, %arg1, %eq3A : i32
    %convert_element_type3A = arith.extui %eq3A_1 : i1 to i32
    %cond3A = arith.constant 0 : i32
    %cond3A_2 = arith.cmpi ne, %convert_element_type3A, %cond3A : i32
    scf.if %cond3A_2 {
      "tpu.region"() ({
        %run_scoped3A = tpu.sem_alloc : memref<!tpu.dma_semaphore, #tpu.memory_space<semaphore_mem>>
        tpu.enqueue_dma source(%arg3 : memref<1000xf32, #tpu.memory_space<hbm>>) target(%arg10 : memref<1000xf32, #tpu.memory_space<vmem_shared>>) target_semaphore(%run_scoped3A : memref<!tpu.dma_semaphore, #tpu.memory_space<semaphore_mem>>)
        tpu.wait_dma2 semaphore(%run_scoped3A : memref<!tpu.dma_semaphore, #tpu.memory_space<semaphore_mem>>) src(%arg3 : memref<1000xf32, #tpu.memory_space<hbm>>) dst(%arg10 : memref<1000xf32, #tpu.memory_space<vmem_shared>>)
        tpu.yield
      }) : () -> ()
    } else {
    }
    %eq3A_3 = arith.constant 1 : i32
    %eq3A_4 = arith.cmpi eq, %arg1, %eq3A_3 : i32
    %convert_element_type3A_5 = arith.extui %eq3A_4 : i1 to i32
    %cond3A_6 = arith.constant 0 : i32
    %cond3A_7 = arith.cmpi ne, %convert_element_type3A_5, %cond3A_6 : i32
    scf.if %cond3A_7 {
      "tpu.region"() ({
        %run_scoped3A = tpu.sem_alloc : memref<!tpu.dma_semaphore, #tpu.memory_space<semaphore_mem>>
        tpu.enqueue_dma source(%arg4 : memref<1000xf32, #tpu.memory_space<hbm>>) target(%arg11 : memref<1000xf32, #tpu.memory_space<vmem_shared>>) target_semaphore(%run_scoped3A : memref<!tpu.dma_semaphore, #tpu.memory_space<semaphore_mem>>)
        tpu.wait_dma2 semaphore(%run_scoped3A : memref<!tpu.dma_semaphore, #tpu.memory_space<semaphore_mem>>) src(%arg4 : memref<1000xf32, #tpu.memory_space<hbm>>) dst(%arg11 : memref<1000xf32, #tpu.memory_space<vmem_shared>>)
        tpu.yield
      }) : () -> ()
    } else {
    }
    %dma_start3A = arith.constant 0 : i32
    %dma_start3A_8 = arith.constant 0 : i32
    %dma_start3A_9 = arith.constant 0 : i32
    %dma_start3A_10 = tpu.memref_slice %arg7[%dma_start3A_8, %dma_start3A_9] : memref<4x128xi32, #tpu.memory_space<vmem>> -> memref<1x128xi32, #tpu.memory_space<vmem>>
    %dma_start3A_11 = tpu.memref_squeeze %dma_start3A_10 : memref<1x128xi32, #tpu.memory_space<vmem>> -> memref<128xi32, #tpu.memory_space<vmem>>
    %dma_start3A_12 = arith.constant 0 : i32
    %dma_start3A_13 = tpu.memref_slice %arg2[%add3A, %dma_start3A, %dma_start3A_12] : memref<32x4x128xi32, #tpu.memory_space<hbm>> -> memref<1x1x128xi32, #tpu.memory_space<hbm>>
    %dma_start3A_14 = tpu.memref_squeeze %dma_start3A_13 : memref<1x1x128xi32, #tpu.memory_space<hbm>> -> memref<128xi32, #tpu.memory_space<hbm>>
    %dma_start3A_15 = arith.constant 0 : i32
    %dma_start3A_16 = tpu.memref_slice %arg7[%dma_start3A_8, %dma_start3A_15] : memref<4x128xi32, #tpu.memory_space<vmem>> -> memref<1x128xi32, #tpu.memory_space<vmem>>
    %dma_start3A_17 = tpu.memref_squeeze %dma_start3A_16 : memref<1x128xi32, #tpu.memory_space<vmem>> -> memref<128xi32, #tpu.memory_space<vmem>>
    %dma_start3A_18 = arith.constant 0 : i32
    %dma_start3A_19 = tpu.memref_slice %arg2[%add3A, %dma_start3A, %dma_start3A_18] : memref<32x4x128xi32, #tpu.memory_space<hbm>> -> memref<1x1x128xi32, #tpu.memory_space<hbm>>
    %dma_start3A_20 = tpu.memref_squeeze %dma_start3A_19 : memref<1x1x128xi32, #tpu.memory_space<hbm>> -> memref<128xi32, #tpu.memory_space<hbm>>
    tpu.enqueue_dma source(%dma_start3A_20 : memref<128xi32, #tpu.memory_space<hbm>>) target(%dma_start3A_17 : memref<128xi32, #tpu.memory_space<vmem>>) target_semaphore(%arg15 : memref<!tpu.dma_semaphore, #tpu.memory_space<semaphore_mem>>)
    %dma_start3A_21 = arith.constant 1 : i32
    %dma_start3A_22 = arith.constant 1 : i32
    %dma_start3A_23 = arith.constant 0 : i32
    %dma_start3A_24 = tpu.memref_slice %arg7[%dma_start3A_22, %dma_start3A_23] : memref<4x128xi32, #tpu.memory_space<vmem>> -> memref<1x128xi32, #tpu.memory_space<vmem>>
    %dma_start3A_25 = tpu.memref_squeeze %dma_start3A_24 : memref<1x128xi32, #tpu.memory_space<vmem>> -> memref<128xi32, #tpu.memory_space<vmem>>
    %dma_start3A_26 = arith.constant 0 : i32
    %dma_start3A_27 = tpu.memref_slice %arg2[%add3A, %dma_start3A_21, %dma_start3A_26] : memref<32x4x128xi32, #tpu.memory_space<hbm>> -> memref<1x1x128xi32, #tpu.memory_space<hbm>>
    %dma_start3A_28 = tpu.memref_squeeze %dma_start3A_27 : memref<1x1x128xi32, #tpu.memory_space<hbm>> -> memref<128xi32, #tpu.memory_space<hbm>>
    %dma_start3A_29 = arith.constant 0 : i32
    %dma_start3A_30 = tpu.memref_slice %arg7[%dma_start3A_22, %dma_start3A_29] : memref<4x128xi32, #tpu.memory_space<vmem>> -> memref<1x128xi32, #tpu.memory_space<vmem>>
    %dma_start3A_31 = tpu.memref_squeeze %dma_start3A_30 : memref<1x128xi32, #tpu.memory_space<vmem>> -> memref<128xi32, #tpu.memory_space<vmem>>
    %dma_start3A_32 = arith.constant 0 : i32
    %dma_start3A_33 = tpu.memref_slice %arg2[%add3A, %dma_start3A_21, %dma_start3A_32] : memref<32x4x128xi32, #tpu.memory_space<hbm>> -> memref<1x1x128xi32, #tpu.memory_space<hbm>>
    %dma_start3A_34 = tpu.memref_squeeze %dma_start3A_33 : memref<1x1x128xi32, #tpu.memory_space<hbm>> -> memref<128xi32, #tpu.memory_space<hbm>>
    tpu.enqueue_dma source(%dma_start3A_34 : memref<128xi32, #tpu.memory_space<hbm>>) target(%dma_start3A_31 : memref<128xi32, #tpu.memory_space<vmem>>) target_semaphore(%arg15 : memref<!tpu.dma_semaphore, #tpu.memory_space<semaphore_mem>>)
    %dma_start3A_35 = arith.constant 2 : i32
    %dma_start3A_36 = arith.constant 2 : i32
    %dma_start3A_37 = arith.constant 0 : i32
    %dma_start3A_38 = tpu.memref_slice %arg7[%dma_start3A_36, %dma_start3A_37] : memref<4x128xi32, #tpu.memory_space<vmem>> -> memref<1x128xi32, #tpu.memory_space<vmem>>
    %dma_start3A_39 = tpu.memref_squeeze %dma_start3A_38 : memref<1x128xi32, #tpu.memory_space<vmem>> -> memref<128xi32, #tpu.memory_space<vmem>>
    %dma_start3A_40 = arith.constant 0 : i32
    %dma_start3A_41 = tpu.memref_slice %arg2[%add3A, %dma_start3A_35, %dma_start3A_40] : memref<32x4x128xi32, #tpu.memory_space<hbm>> -> memref<1x1x128xi32, #tpu.memory_space<hbm>>
    %dma_start3A_42 = tpu.memref_squeeze %dma_start3A_41 : memref<1x1x128xi32, #tpu.memory_space<hbm>> -> memref<128xi32, #tpu.memory_space<hbm>>
    %dma_start3A_43 = arith.constant 0 : i32
    %dma_start3A_44 = tpu.memref_slice %arg7[%dma_start3A_36, %dma_start3A_43] : memref<4x128xi32, #tpu.memory_space<vmem>> -> memref<1x128xi32, #tpu.memory_space<vmem>>
    %dma_start3A_45 = tpu.memref_squeeze %dma_start3A_44 : memref<1x128xi32, #tpu.memory_space<vmem>> -> memref<128xi32, #tpu.memory_space<vmem>>
    %dma_start3A_46 = arith.constant 0 : i32
    %dma_start3A_47 = tpu.memref_slice %arg2[%add3A, %dma_start3A_35, %dma_start3A_46] : memref<32x4x128xi32, #tpu.memory_space<hbm>> -> memref<1x1x128xi32, #tpu.memory_space<hbm>>
    %dma_start3A_48 = tpu.memref_squeeze %dma_start3A_47 : memref<1x1x128xi32, #tpu.memory_space<hbm>> -> memref<128xi32, #tpu.memory_space<hbm>>
    tpu.enqueue_dma source(%dma_start3A_48 : memref<128xi32, #tpu.memory_space<hbm>>) target(%dma_start3A_45 : memref<128xi32, #tpu.memory_space<vmem>>) target_semaphore(%arg15 : memref<!tpu.dma_semaphore, #tpu.memory_space<semaphore_mem>>)
    %dma_start3A_49 = arith.constant 3 : i32
    %dma_start3A_50 = arith.constant 3 : i32
    %dma_start3A_51 = arith.constant 0 : i32
    %dma_start3A_52 = tpu.memref_slice %arg7[%dma_start3A_50, %dma_start3A_51] : memref<4x128xi32, #tpu.memory_space<vmem>> -> memref<1x128xi32, #tpu.memory_space<vmem>>
    %dma_start3A_53 = tpu.memref_squeeze %dma_start3A_52 : memref<1x128xi32, #tpu.memory_space<vmem>> -> memref<128xi32, #tpu.memory_space<vmem>>
    %dma_start3A_54 = arith.constant 0 : i32
    %dma_start3A_55 = tpu.memref_slice %arg2[%add3A, %dma_start3A_49, %dma_start3A_54] : memref<32x4x128xi32, #tpu.memory_space<hbm>> -> memref<1x1x128xi32, #tpu.memory_space<hbm>>
    %dma_start3A_56 = tpu.memref_squeeze %dma_start3A_55 : memref<1x1x128xi32, #tpu.memory_space<hbm>> -> memref<128xi32, #tpu.memory_space<hbm>>
    %dma_start3A_57 = arith.constant 0 : i32
    %dma_start3A_58 = tpu.memref_slice %arg7[%dma_start3A_50, %dma_start3A_57] : memref<4x128xi32, #tpu.memory_space<vmem>> -> memref<1x128xi32, #tpu.memory_space<vmem>>
    %dma_start3A_59 = tpu.memref_squeeze %dma_start3A_58 : memref<1x128xi32, #tpu.memory_space<vmem>> -> memref<128xi32, #tpu.memory_space<vmem>>
    %dma_start3A_60 = arith.constant 0 : i32
    %dma_start3A_61 = tpu.memref_slice %arg2[%add3A, %dma_start3A_49, %dma_start3A_60] : memref<32x4x128xi32, #tpu.memory_space<hbm>> -> memref<1x1x128xi32, #tpu.memory_space<hbm>>
    %dma_start3A_62 = tpu.memref_squeeze %dma_start3A_61 : memref<1x1x128xi32, #tpu.memory_space<hbm>> -> memref<128xi32, #tpu.memory_space<hbm>>
    tpu.enqueue_dma source(%dma_start3A_62 : memref<128xi32, #tpu.memory_space<hbm>>) target(%dma_start3A_59 : memref<128xi32, #tpu.memory_space<vmem>>) target_semaphore(%arg15 : memref<!tpu.dma_semaphore, #tpu.memory_space<semaphore_mem>>)
    %barrier3A = arith.constant 0 : index
    tpu.barrier barrier_id(%barrier3A)
    %dma_wait3A = arith.constant 0 : i32
    %dma_wait3A_63 = arith.constant 0 : i32
    %dma_wait3A_64 = arith.constant 0 : i32
    %dma_wait3A_65 = tpu.memref_slice %arg7[%dma_wait3A_63, %dma_wait3A_64] : memref<4x128xi32, #tpu.memory_space<vmem>> -> memref<1x128xi32, #tpu.memory_space<vmem>>
    %dma_wait3A_66 = tpu.memref_squeeze %dma_wait3A_65 : memref<1x128xi32, #tpu.memory_space<vmem>> -> memref<128xi32, #tpu.memory_space<vmem>>
    %dma_wait3A_67 = arith.constant 0 : i32
    %dma_wait3A_68 = tpu.memref_slice %arg2[%add3A, %dma_wait3A, %dma_wait3A_67] : memref<32x4x128xi32, #tpu.memory_space<hbm>> -> memref<1x1x128xi32, #tpu.memory_space<hbm>>
    %dma_wait3A_69 = tpu.memref_squeeze %dma_wait3A_68 : memref<1x1x128xi32, #tpu.memory_space<hbm>> -> memref<128xi32, #tpu.memory_space<hbm>>
    %dma_wait3A_70 = arith.constant 0 : i32
    %dma_wait3A_71 = tpu.memref_slice %arg7[%dma_wait3A_63, %dma_wait3A_70] : memref<4x128xi32, #tpu.memory_space<vmem>> -> memref<1x128xi32, #tpu.memory_space<vmem>>
    %dma_wait3A_72 = tpu.memref_squeeze %dma_wait3A_71 : memref<1x128xi32, #tpu.memory_space<vmem>> -> memref<128xi32, #tpu.memory_space<vmem>>
    %dma_wait3A_73 = arith.constant 0 : i32
    %dma_wait3A_74 = tpu.memref_slice %arg2[%add3A, %dma_wait3A, %dma_wait3A_73] : memref<32x4x128xi32, #tpu.memory_space<hbm>> -> memref<1x1x128xi32, #tpu.memory_space<hbm>>
    %dma_wait3A_75 = tpu.memref_squeeze %dma_wait3A_74 : memref<1x1x128xi32, #tpu.memory_space<hbm>> -> memref<128xi32, #tpu.memory_space<hbm>>
    tpu.wait_dma2 semaphore(%arg15 : memref<!tpu.dma_semaphore, #tpu.memory_space<semaphore_mem>>) src(%dma_wait3A_75 : memref<128xi32, #tpu.memory_space<hbm>>) dst(%dma_wait3A_72 : memref<128xi32, #tpu.memory_space<vmem>>)
    %dma_start3A_76 = arith.constant 0 : i32
    %dma_start3A_77 = arith.constant 0 : i32
    %dma_start3A_78 = arith.constant 0 : i32
    %dma_start3A_79 = tpu.memref_slice %arg8[%dma_start3A_77, %dma_start3A_78] : memref<4x128xf32, #tpu.memory_space<vmem>> -> memref<1x128xf32, #tpu.memory_space<vmem>>
    %dma_start3A_80 = tpu.memref_squeeze %dma_start3A_79 : memref<1x128xf32, #tpu.memory_space<vmem>> -> memref<128xf32, #tpu.memory_space<vmem>>
    %dma_start3A_81 = arith.constant 0 : i32
    %dma_start3A_82 = tpu.memref_slice %arg7[%dma_start3A_76, %dma_start3A_81] : memref<4x128xi32, #tpu.memory_space<vmem>> -> memref<1x128xi32, #tpu.memory_space<vmem>>
    %dma_start3A_83 = tpu.memref_squeeze %dma_start3A_82 : memref<1x128xi32, #tpu.memory_space<vmem>> -> memref<128xi32, #tpu.memory_space<vmem>>
    %dma_start3A_84 = arith.constant 0 : i32
    %dma_start3A_85 = tpu.memref_slice %arg10[%dma_start3A_84] : memref<1000xf32, #tpu.memory_space<vmem_shared>> -> memref<1000xf32, #tpu.memory_space<vmem_shared>>
    tpu.enqueue_indirect_dma source(%dma_start3A_85 : memref<1000xf32, #tpu.memory_space<vmem_shared>>) target(%dma_start3A_80 : memref<128xf32, #tpu.memory_space<vmem>>) offsets(%dma_start3A_83 : memref<128xi32, #tpu.memory_space<vmem>>) semaphore(%arg12 : memref<!tpu.dma_semaphore, #tpu.memory_space<semaphore_mem>>)
    %dma_start3A_86 = arith.constant 0 : i32
    %dma_start3A_87 = arith.constant 0 : i32
    %dma_start3A_88 = arith.constant 0 : i32
    %dma_start3A_89 = tpu.memref_slice %arg9[%dma_start3A_87, %dma_start3A_88] : memref<4x128xf32, #tpu.memory_space<vmem>> -> memref<1x128xf32, #tpu.memory_space<vmem>>
    %dma_start3A_90 = tpu.memref_squeeze %dma_start3A_89 : memref<1x128xf32, #tpu.memory_space<vmem>> -> memref<128xf32, #tpu.memory_space<vmem>>
    %dma_start3A_91 = arith.constant 0 : i32
    %dma_start3A_92 = tpu.memref_slice %arg7[%dma_start3A_86, %dma_start3A_91] : memref<4x128xi32, #tpu.memory_space<vmem>> -> memref<1x128xi32, #tpu.memory_space<vmem>>
    %dma_start3A_93 = tpu.memref_squeeze %dma_start3A_92 : memref<1x128xi32, #tpu.memory_space<vmem>> -> memref<128xi32, #tpu.memory_space<vmem>>
    %dma_start3A_94 = arith.constant 0 : i32
    %dma_start3A_95 = tpu.memref_slice %arg11[%dma_start3A_94] : memref<1000xf32, #tpu.memory_space<vmem_shared>> -> memref<1000xf32, #tpu.memory_space<vmem_shared>>
    tpu.enqueue_indirect_dma source(%dma_start3A_95 : memref<1000xf32, #tpu.memory_space<vmem_shared>>) target(%dma_start3A_90 : memref<128xf32, #tpu.memory_space<vmem>>) offsets(%dma_start3A_93 : memref<128xi32, #tpu.memory_space<vmem>>) semaphore(%arg13 : memref<!tpu.dma_semaphore, #tpu.memory_space<semaphore_mem>>)
    %dma_wait3A_96 = arith.constant 1 : i32
    %dma_wait3A_97 = arith.constant 1 : i32
    %dma_wait3A_98 = arith.constant 0 : i32
    %dma_wait3A_99 = tpu.memref_slice %arg7[%dma_wait3A_97, %dma_wait3A_98] : memref<4x128xi32, #tpu.memory_space<vmem>> -> memref<1x128xi32, #tpu.memory_space<vmem>>
    %dma_wait3A_100 = tpu.memref_squeeze %dma_wait3A_99 : memref<1x128xi32, #tpu.memory_space<vmem>> -> memref<128xi32, #tpu.memory_space<vmem>>
    %dma_wait3A_101 = arith.constant 0 : i32
    %dma_wait3A_102 = tpu.memref_slice %arg2[%add3A, %dma_wait3A_96, %dma_wait3A_101] : memref<32x4x128xi32, #tpu.memory_space<hbm>> -> memref<1x1x128xi32, #tpu.memory_space<hbm>>
    %dma_wait3A_103 = tpu.memref_squeeze %dma_wait3A_102 : memref<1x1x128xi32, #tpu.memory_space<hbm>> -> memref<128xi32, #tpu.memory_space<hbm>>
    %dma_wait3A_104 = arith.constant 0 : i32
    %dma_wait3A_105 = tpu.memref_slice %arg7[%dma_wait3A_97, %dma_wait3A_104] : memref<4x128xi32, #tpu.memory_space<vmem>> -> memref<1x128xi32, #tpu.memory_space<vmem>>
    %dma_wait3A_106 = tpu.memref_squeeze %dma_wait3A_105 : memref<1x128xi32, #tpu.memory_space<vmem>> -> memref<128xi32, #tpu.memory_space<vmem>>
    %dma_wait3A_107 = arith.constant 0 : i32
    %dma_wait3A_108 = tpu.memref_slice %arg2[%add3A, %dma_wait3A_96, %dma_wait3A_107] : memref<32x4x128xi32, #tpu.memory_space<hbm>> -> memref<1x1x128xi32, #tpu.memory_space<hbm>>
    %dma_wait3A_109 = tpu.memref_squeeze %dma_wait3A_108 : memref<1x1x128xi32, #tpu.memory_space<hbm>> -> memref<128xi32, #tpu.memory_space<hbm>>
    tpu.wait_dma2 semaphore(%arg15 : memref<!tpu.dma_semaphore, #tpu.memory_space<semaphore_mem>>) src(%dma_wait3A_109 : memref<128xi32, #tpu.memory_space<hbm>>) dst(%dma_wait3A_106 : memref<128xi32, #tpu.memory_space<vmem>>)
    %dma_start3A_110 = arith.constant 1 : i32
    %dma_start3A_111 = arith.constant 1 : i32
    %dma_start3A_112 = arith.constant 0 : i32
    %dma_start3A_113 = tpu.memref_slice %arg8[%dma_start3A_111, %dma_start3A_112] : memref<4x128xf32, #tpu.memory_space<vmem>> -> memref<1x128xf32, #tpu.memory_space<vmem>>
    %dma_start3A_114 = tpu.memref_squeeze %dma_start3A_113 : memref<1x128xf32, #tpu.memory_space<vmem>> -> memref<128xf32, #tpu.memory_space<vmem>>
    %dma_start3A_115 = arith.constant 0 : i32
    %dma_start3A_116 = tpu.memref_slice %arg7[%dma_start3A_110, %dma_start3A_115] : memref<4x128xi32, #tpu.memory_space<vmem>> -> memref<1x128xi32, #tpu.memory_space<vmem>>
    %dma_start3A_117 = tpu.memref_squeeze %dma_start3A_116 : memref<1x128xi32, #tpu.memory_space<vmem>> -> memref<128xi32, #tpu.memory_space<vmem>>
    %dma_start3A_118 = arith.constant 0 : i32
    %dma_start3A_119 = tpu.memref_slice %arg10[%dma_start3A_118] : memref<1000xf32, #tpu.memory_space<vmem_shared>> -> memref<1000xf32, #tpu.memory_space<vmem_shared>>
    tpu.enqueue_indirect_dma source(%dma_start3A_119 : memref<1000xf32, #tpu.memory_space<vmem_shared>>) target(%dma_start3A_114 : memref<128xf32, #tpu.memory_space<vmem>>) offsets(%dma_start3A_117 : memref<128xi32, #tpu.memory_space<vmem>>) semaphore(%arg12 : memref<!tpu.dma_semaphore, #tpu.memory_space<semaphore_mem>>)
    %dma_start3A_120 = arith.constant 1 : i32
    %dma_start3A_121 = arith.constant 1 : i32
    %dma_start3A_122 = arith.constant 0 : i32
    %dma_start3A_123 = tpu.memref_slice %arg9[%dma_start3A_121, %dma_start3A_122] : memref<4x128xf32, #tpu.memory_space<vmem>> -> memref<1x128xf32, #tpu.memory_space<vmem>>
    %dma_start3A_124 = tpu.memref_squeeze %dma_start3A_123 : memref<1x128xf32, #tpu.memory_space<vmem>> -> memref<128xf32, #tpu.memory_space<vmem>>
    %dma_start3A_125 = arith.constant 0 : i32
    %dma_start3A_126 = tpu.memref_slice %arg7[%dma_start3A_120, %dma_start3A_125] : memref<4x128xi32, #tpu.memory_space<vmem>> -> memref<1x128xi32, #tpu.memory_space<vmem>>
    %dma_start3A_127 = tpu.memref_squeeze %dma_start3A_126 : memref<1x128xi32, #tpu.memory_space<vmem>> -> memref<128xi32, #tpu.memory_space<vmem>>
    %dma_start3A_128 = arith.constant 0 : i32
    %dma_start3A_129 = tpu.memref_slice %arg11[%dma_start3A_128] : memref<1000xf32, #tpu.memory_space<vmem_shared>> -> memref<1000xf32, #tpu.memory_space<vmem_shared>>
    tpu.enqueue_indirect_dma source(%dma_start3A_129 : memref<1000xf32, #tpu.memory_space<vmem_shared>>) target(%dma_start3A_124 : memref<128xf32, #tpu.memory_space<vmem>>) offsets(%dma_start3A_127 : memref<128xi32, #tpu.memory_space<vmem>>) semaphore(%arg13 : memref<!tpu.dma_semaphore, #tpu.memory_space<semaphore_mem>>)
    %dma_wait3A_130 = arith.constant 2 : i32
    %dma_wait3A_131 = arith.constant 2 : i32
    %dma_wait3A_132 = arith.constant 0 : i32
    %dma_wait3A_133 = tpu.memref_slice %arg7[%dma_wait3A_131, %dma_wait3A_132] : memref<4x128xi32, #tpu.memory_space<vmem>> -> memref<1x128xi32, #tpu.memory_space<vmem>>
    %dma_wait3A_134 = tpu.memref_squeeze %dma_wait3A_133 : memref<1x128xi32, #tpu.memory_space<vmem>> -> memref<128xi32, #tpu.memory_space<vmem>>
    %dma_wait3A_135 = arith.constant 0 : i32
    %dma_wait3A_136 = tpu.memref_slice %arg2[%add3A, %dma_wait3A_130, %dma_wait3A_135] : memref<32x4x128xi32, #tpu.memory_space<hbm>> -> memref<1x1x128xi32, #tpu.memory_space<hbm>>
    %dma_wait3A_137 = tpu.memref_squeeze %dma_wait3A_136 : memref<1x1x128xi32, #tpu.memory_space<hbm>> -> memref<128xi32, #tpu.memory_space<hbm>>
    %dma_wait3A_138 = arith.constant 0 : i32
    %dma_wait3A_139 = tpu.memref_slice %arg7[%dma_wait3A_131, %dma_wait3A_138] : memref<4x128xi32, #tpu.memory_space<vmem>> -> memref<1x128xi32, #tpu.memory_space<vmem>>
    %dma_wait3A_140 = tpu.memref_squeeze %dma_wait3A_139 : memref<1x128xi32, #tpu.memory_space<vmem>> -> memref<128xi32, #tpu.memory_space<vmem>>
    %dma_wait3A_141 = arith.constant 0 : i32
    %dma_wait3A_142 = tpu.memref_slice %arg2[%add3A, %dma_wait3A_130, %dma_wait3A_141] : memref<32x4x128xi32, #tpu.memory_space<hbm>> -> memref<1x1x128xi32, #tpu.memory_space<hbm>>
    %dma_wait3A_143 = tpu.memref_squeeze %dma_wait3A_142 : memref<1x1x128xi32, #tpu.memory_space<hbm>> -> memref<128xi32, #tpu.memory_space<hbm>>
    tpu.wait_dma2 semaphore(%arg15 : memref<!tpu.dma_semaphore, #tpu.memory_space<semaphore_mem>>) src(%dma_wait3A_143 : memref<128xi32, #tpu.memory_space<hbm>>) dst(%dma_wait3A_140 : memref<128xi32, #tpu.memory_space<vmem>>)
    %dma_start3A_144 = arith.constant 2 : i32
    %dma_start3A_145 = arith.constant 2 : i32
    %dma_start3A_146 = arith.constant 0 : i32
    %dma_start3A_147 = tpu.memref_slice %arg8[%dma_start3A_145, %dma_start3A_146] : memref<4x128xf32, #tpu.memory_space<vmem>> -> memref<1x128xf32, #tpu.memory_space<vmem>>
    %dma_start3A_148 = tpu.memref_squeeze %dma_start3A_147 : memref<1x128xf32, #tpu.memory_space<vmem>> -> memref<128xf32, #tpu.memory_space<vmem>>
    %dma_start3A_149 = arith.constant 0 : i32
    %dma_start3A_150 = tpu.memref_slice %arg7[%dma_start3A_144, %dma_start3A_149] : memref<4x128xi32, #tpu.memory_space<vmem>> -> memref<1x128xi32, #tpu.memory_space<vmem>>
    %dma_start3A_151 = tpu.memref_squeeze %dma_start3A_150 : memref<1x128xi32, #tpu.memory_space<vmem>> -> memref<128xi32, #tpu.memory_space<vmem>>
    %dma_start3A_152 = arith.constant 0 : i32
    %dma_start3A_153 = tpu.memref_slice %arg10[%dma_start3A_152] : memref<1000xf32, #tpu.memory_space<vmem_shared>> -> memref<1000xf32, #tpu.memory_space<vmem_shared>>
    tpu.enqueue_indirect_dma source(%dma_start3A_153 : memref<1000xf32, #tpu.memory_space<vmem_shared>>) target(%dma_start3A_148 : memref<128xf32, #tpu.memory_space<vmem>>) offsets(%dma_start3A_151 : memref<128xi32, #tpu.memory_space<vmem>>) semaphore(%arg12 : memref<!tpu.dma_semaphore, #tpu.memory_space<semaphore_mem>>)
    %dma_start3A_154 = arith.constant 2 : i32
    %dma_start3A_155 = arith.constant 2 : i32
    %dma_start3A_156 = arith.constant 0 : i32
    %dma_start3A_157 = tpu.memref_slice %arg9[%dma_start3A_155, %dma_start3A_156] : memref<4x128xf32, #tpu.memory_space<vmem>> -> memref<1x128xf32, #tpu.memory_space<vmem>>
    %dma_start3A_158 = tpu.memref_squeeze %dma_start3A_157 : memref<1x128xf32, #tpu.memory_space<vmem>> -> memref<128xf32, #tpu.memory_space<vmem>>
    %dma_start3A_159 = arith.constant 0 : i32
    %dma_start3A_160 = tpu.memref_slice %arg7[%dma_start3A_154, %dma_start3A_159] : memref<4x128xi32, #tpu.memory_space<vmem>> -> memref<1x128xi32, #tpu.memory_space<vmem>>
    %dma_start3A_161 = tpu.memref_squeeze %dma_start3A_160 : memref<1x128xi32, #tpu.memory_space<vmem>> -> memref<128xi32, #tpu.memory_space<vmem>>
    %dma_start3A_162 = arith.constant 0 : i32
    %dma_start3A_163 = tpu.memref_slice %arg11[%dma_start3A_162] : memref<1000xf32, #tpu.memory_space<vmem_shared>> -> memref<1000xf32, #tpu.memory_space<vmem_shared>>
    tpu.enqueue_indirect_dma source(%dma_start3A_163 : memref<1000xf32, #tpu.memory_space<vmem_shared>>) target(%dma_start3A_158 : memref<128xf32, #tpu.memory_space<vmem>>) offsets(%dma_start3A_161 : memref<128xi32, #tpu.memory_space<vmem>>) semaphore(%arg13 : memref<!tpu.dma_semaphore, #tpu.memory_space<semaphore_mem>>)
    %dma_wait3A_164 = arith.constant 3 : i32
    %dma_wait3A_165 = arith.constant 3 : i32
    %dma_wait3A_166 = arith.constant 0 : i32
    %dma_wait3A_167 = tpu.memref_slice %arg7[%dma_wait3A_165, %dma_wait3A_166] : memref<4x128xi32, #tpu.memory_space<vmem>> -> memref<1x128xi32, #tpu.memory_space<vmem>>
    %dma_wait3A_168 = tpu.memref_squeeze %dma_wait3A_167 : memref<1x128xi32, #tpu.memory_space<vmem>> -> memref<128xi32, #tpu.memory_space<vmem>>
    %dma_wait3A_169 = arith.constant 0 : i32
    %dma_wait3A_170 = tpu.memref_slice %arg2[%add3A, %dma_wait3A_164, %dma_wait3A_169] : memref<32x4x128xi32, #tpu.memory_space<hbm>> -> memref<1x1x128xi32, #tpu.memory_space<hbm>>
    %dma_wait3A_171 = tpu.memref_squeeze %dma_wait3A_170 : memref<1x1x128xi32, #tpu.memory_space<hbm>> -> memref<128xi32, #tpu.memory_space<hbm>>
    %dma_wait3A_172 = arith.constant 0 : i32
    %dma_wait3A_173 = tpu.memref_slice %arg7[%dma_wait3A_165, %dma_wait3A_172] : memref<4x128xi32, #tpu.memory_space<vmem>> -> memref<1x128xi32, #tpu.memory_space<vmem>>
    %dma_wait3A_174 = tpu.memref_squeeze %dma_wait3A_173 : memref<1x128xi32, #tpu.memory_space<vmem>> -> memref<128xi32, #tpu.memory_space<vmem>>
    %dma_wait3A_175 = arith.constant 0 : i32
    %dma_wait3A_176 = tpu.memref_slice %arg2[%add3A, %dma_wait3A_164, %dma_wait3A_175] : memref<32x4x128xi32, #tpu.memory_space<hbm>> -> memref<1x1x128xi32, #tpu.memory_space<hbm>>
    %dma_wait3A_177 = tpu.memref_squeeze %dma_wait3A_176 : memref<1x1x128xi32, #tpu.memory_space<hbm>> -> memref<128xi32, #tpu.memory_space<hbm>>
    tpu.wait_dma2 semaphore(%arg15 : memref<!tpu.dma_semaphore, #tpu.memory_space<semaphore_mem>>) src(%dma_wait3A_177 : memref<128xi32, #tpu.memory_space<hbm>>) dst(%dma_wait3A_174 : memref<128xi32, #tpu.memory_space<vmem>>)
    %dma_start3A_178 = arith.constant 3 : i32
    %dma_start3A_179 = arith.constant 3 : i32
    %dma_start3A_180 = arith.constant 0 : i32
    %dma_start3A_181 = tpu.memref_slice %arg8[%dma_start3A_179, %dma_start3A_180] : memref<4x128xf32, #tpu.memory_space<vmem>> -> memref<1x128xf32, #tpu.memory_space<vmem>>
    %dma_start3A_182 = tpu.memref_squeeze %dma_start3A_181 : memref<1x128xf32, #tpu.memory_space<vmem>> -> memref<128xf32, #tpu.memory_space<vmem>>
    %dma_start3A_183 = arith.constant 0 : i32
    %dma_start3A_184 = tpu.memref_slice %arg7[%dma_start3A_178, %dma_start3A_183] : memref<4x128xi32, #tpu.memory_space<vmem>> -> memref<1x128xi32, #tpu.memory_space<vmem>>
    %dma_start3A_185 = tpu.memref_squeeze %dma_start3A_184 : memref<1x128xi32, #tpu.memory_space<vmem>> -> memref<128xi32, #tpu.memory_space<vmem>>
    %dma_start3A_186 = arith.constant 0 : i32
    %dma_start3A_187 = tpu.memref_slice %arg10[%dma_start3A_186] : memref<1000xf32, #tpu.memory_space<vmem_shared>> -> memref<1000xf32, #tpu.memory_space<vmem_shared>>
    tpu.enqueue_indirect_dma source(%dma_start3A_187 : memref<1000xf32, #tpu.memory_space<vmem_shared>>) target(%dma_start3A_182 : memref<128xf32, #tpu.memory_space<vmem>>) offsets(%dma_start3A_185 : memref<128xi32, #tpu.memory_space<vmem>>) semaphore(%arg12 : memref<!tpu.dma_semaphore, #tpu.memory_space<semaphore_mem>>)
    %dma_start3A_188 = arith.constant 3 : i32
    %dma_start3A_189 = arith.constant 3 : i32
    %dma_start3A_190 = arith.constant 0 : i32
    %dma_start3A_191 = tpu.memref_slice %arg9[%dma_start3A_189, %dma_start3A_190] : memref<4x128xf32, #tpu.memory_space<vmem>> -> memref<1x128xf32, #tpu.memory_space<vmem>>
    %dma_start3A_192 = tpu.memref_squeeze %dma_start3A_191 : memref<1x128xf32, #tpu.memory_space<vmem>> -> memref<128xf32, #tpu.memory_space<vmem>>
    %dma_start3A_193 = arith.constant 0 : i32
    %dma_start3A_194 = tpu.memref_slice %arg7[%dma_start3A_188, %dma_start3A_193] : memref<4x128xi32, #tpu.memory_space<vmem>> -> memref<1x128xi32, #tpu.memory_space<vmem>>
    %dma_start3A_195 = tpu.memref_squeeze %dma_start3A_194 : memref<1x128xi32, #tpu.memory_space<vmem>> -> memref<128xi32, #tpu.memory_space<vmem>>
    %dma_start3A_196 = arith.constant 0 : i32
    %dma_start3A_197 = tpu.memref_slice %arg11[%dma_start3A_196] : memref<1000xf32, #tpu.memory_space<vmem_shared>> -> memref<1000xf32, #tpu.memory_space<vmem_shared>>
    tpu.enqueue_indirect_dma source(%dma_start3A_197 : memref<1000xf32, #tpu.memory_space<vmem_shared>>) target(%dma_start3A_192 : memref<128xf32, #tpu.memory_space<vmem>>) offsets(%dma_start3A_195 : memref<128xi32, #tpu.memory_space<vmem>>) semaphore(%arg13 : memref<!tpu.dma_semaphore, #tpu.memory_space<semaphore_mem>>)
    %dma_wait3A_198 = arith.constant 0 : i32
    %dma_wait3A_199 = arith.constant 0 : i32
    %dma_wait3A_200 = arith.constant 0 : i32
    %dma_wait3A_201 = tpu.memref_slice %arg8[%dma_wait3A_199, %dma_wait3A_200] : memref<4x128xf32, #tpu.memory_space<vmem>> -> memref<1x128xf32, #tpu.memory_space<vmem>>
    %dma_wait3A_202 = tpu.memref_squeeze %dma_wait3A_201 : memref<1x128xf32, #tpu.memory_space<vmem>> -> memref<128xf32, #tpu.memory_space<vmem>>
    %dma_wait3A_203 = arith.constant 0 : i32
    %dma_wait3A_204 = tpu.memref_slice %arg7[%dma_wait3A_198, %dma_wait3A_203] : memref<4x128xi32, #tpu.memory_space<vmem>> -> memref<1x128xi32, #tpu.memory_space<vmem>>
    %dma_wait3A_205 = tpu.memref_squeeze %dma_wait3A_204 : memref<1x128xi32, #tpu.memory_space<vmem>> -> memref<128xi32, #tpu.memory_space<vmem>>
    %dma_wait3A_206 = arith.constant 0 : i32
    %dma_wait3A_207 = tpu.memref_slice %arg10[%dma_wait3A_206] : memref<1000xf32, #tpu.memory_space<vmem_shared>> -> memref<1000xf32, #tpu.memory_space<vmem_shared>>
    tpu.wait_indirect_dma semaphore(%arg12 : memref<!tpu.dma_semaphore, #tpu.memory_space<semaphore_mem>>) src(%dma_wait3A_207 : memref<1000xf32, #tpu.memory_space<vmem_shared>>) dst(%dma_wait3A_202 : memref<128xf32, #tpu.memory_space<vmem>>)
    %dma_start3A_208 = arith.constant 0 : i32
    %dma_start3A_209 = arith.constant 0 : i32
    %dma_start3A_210 = arith.constant 0 : i32
    %dma_start3A_211 = tpu.memref_slice %arg8[%dma_start3A_208, %dma_start3A_210] : memref<4x128xf32, #tpu.memory_space<vmem>> -> memref<1x128xf32, #tpu.memory_space<vmem>>
    %dma_start3A_212 = tpu.memref_squeeze %dma_start3A_211 : memref<1x128xf32, #tpu.memory_space<vmem>> -> memref<128xf32, #tpu.memory_space<vmem>>
    %dma_start3A_213 = arith.constant 0 : i32
    %dma_start3A_214 = tpu.memref_slice %arg5[%add3A, %dma_start3A_209, %dma_start3A_213] : memref<32x4x128xf32, #tpu.memory_space<hbm>> -> memref<1x1x128xf32, #tpu.memory_space<hbm>>
    %dma_start3A_215 = tpu.memref_squeeze %dma_start3A_214 : memref<1x1x128xf32, #tpu.memory_space<hbm>> -> memref<128xf32, #tpu.memory_space<hbm>>
    %dma_start3A_216 = arith.constant 0 : i32
    %dma_start3A_217 = tpu.memref_slice %arg5[%add3A, %dma_start3A_209, %dma_start3A_216] : memref<32x4x128xf32, #tpu.memory_space<hbm>> -> memref<1x1x128xf32, #tpu.memory_space<hbm>>
    %dma_start3A_218 = tpu.memref_squeeze %dma_start3A_217 : memref<1x1x128xf32, #tpu.memory_space<hbm>> -> memref<128xf32, #tpu.memory_space<hbm>>
    %dma_start3A_219 = arith.constant 0 : i32
    %dma_start3A_220 = tpu.memref_slice %arg8[%dma_start3A_208, %dma_start3A_219] : memref<4x128xf32, #tpu.memory_space<vmem>> -> memref<1x128xf32, #tpu.memory_space<vmem>>
    %dma_start3A_221 = tpu.memref_squeeze %dma_start3A_220 : memref<1x128xf32, #tpu.memory_space<vmem>> -> memref<128xf32, #tpu.memory_space<vmem>>
    tpu.enqueue_dma source(%dma_start3A_221 : memref<128xf32, #tpu.memory_space<vmem>>) target(%dma_start3A_218 : memref<128xf32, #tpu.memory_space<hbm>>) target_semaphore(%arg14 : memref<!tpu.dma_semaphore, #tpu.memory_space<semaphore_mem>>)
    %dma_wait3A_222 = arith.constant 0 : i32
    %dma_wait3A_223 = arith.constant 0 : i32
    %dma_wait3A_224 = arith.constant 0 : i32
    %dma_wait3A_225 = tpu.memref_slice %arg9[%dma_wait3A_223, %dma_wait3A_224] : memref<4x128xf32, #tpu.memory_space<vmem>> -> memref<1x128xf32, #tpu.memory_space<vmem>>
    %dma_wait3A_226 = tpu.memref_squeeze %dma_wait3A_225 : memref<1x128xf32, #tpu.memory_space<vmem>> -> memref<128xf32, #tpu.memory_space<vmem>>
    %dma_wait3A_227 = arith.constant 0 : i32
    %dma_wait3A_228 = tpu.memref_slice %arg7[%dma_wait3A_222, %dma_wait3A_227] : memref<4x128xi32, #tpu.memory_space<vmem>> -> memref<1x128xi32, #tpu.memory_space<vmem>>
    %dma_wait3A_229 = tpu.memref_squeeze %dma_wait3A_228 : memref<1x128xi32, #tpu.memory_space<vmem>> -> memref<128xi32, #tpu.memory_space<vmem>>
    %dma_wait3A_230 = arith.constant 0 : i32
    %dma_wait3A_231 = tpu.memref_slice %arg11[%dma_wait3A_230] : memref<1000xf32, #tpu.memory_space<vmem_shared>> -> memref<1000xf32, #tpu.memory_space<vmem_shared>>
    tpu.wait_indirect_dma semaphore(%arg13 : memref<!tpu.dma_semaphore, #tpu.memory_space<semaphore_mem>>) src(%dma_wait3A_231 : memref<1000xf32, #tpu.memory_space<vmem_shared>>) dst(%dma_wait3A_226 : memref<128xf32, #tpu.memory_space<vmem>>)
    %dma_start3A_232 = arith.constant 0 : i32
    %dma_start3A_233 = arith.constant 0 : i32
    %dma_start3A_234 = arith.constant 0 : i32
    %dma_start3A_235 = tpu.memref_slice %arg9[%dma_start3A_232, %dma_start3A_234] : memref<4x128xf32, #tpu.memory_space<vmem>> -> memref<1x128xf32, #tpu.memory_space<vmem>>
    %dma_start3A_236 = tpu.memref_squeeze %dma_start3A_235 : memref<1x128xf32, #tpu.memory_space<vmem>> -> memref<128xf32, #tpu.memory_space<vmem>>
    %dma_start3A_237 = arith.constant 0 : i32
    %dma_start3A_238 = tpu.memref_slice %arg6[%add3A, %dma_start3A_233, %dma_start3A_237] : memref<32x4x128xf32, #tpu.memory_space<hbm>> -> memref<1x1x128xf32, #tpu.memory_space<hbm>>
    %dma_start3A_239 = tpu.memref_squeeze %dma_start3A_238 : memref<1x1x128xf32, #tpu.memory_space<hbm>> -> memref<128xf32, #tpu.memory_space<hbm>>
    %dma_start3A_240 = arith.constant 0 : i32
    %dma_start3A_241 = tpu.memref_slice %arg6[%add3A, %dma_start3A_233, %dma_start3A_240] : memref<32x4x128xf32, #tpu.memory_space<hbm>> -> memref<1x1x128xf32, #tpu.memory_space<hbm>>
    %dma_start3A_242 = tpu.memref_squeeze %dma_start3A_241 : memref<1x1x128xf32, #tpu.memory_space<hbm>> -> memref<128xf32, #tpu.memory_space<hbm>>
    %dma_start3A_243 = arith.constant 0 : i32
    %dma_start3A_244 = tpu.memref_slice %arg9[%dma_start3A_232, %dma_start3A_243] : memref<4x128xf32, #tpu.memory_space<vmem>> -> memref<1x128xf32, #tpu.memory_space<vmem>>
    %dma_start3A_245 = tpu.memref_squeeze %dma_start3A_244 : memref<1x128xf32, #tpu.memory_space<vmem>> -> memref<128xf32, #tpu.memory_space<vmem>>
    tpu.enqueue_dma source(%dma_start3A_245 : memref<128xf32, #tpu.memory_space<vmem>>) target(%dma_start3A_242 : memref<128xf32, #tpu.memory_space<hbm>>) target_semaphore(%arg14 : memref<!tpu.dma_semaphore, #tpu.memory_space<semaphore_mem>>)
    %dma_wait3A_246 = arith.constant 1 : i32
    %dma_wait3A_247 = arith.constant 1 : i32
    %dma_wait3A_248 = arith.constant 0 : i32
    %dma_wait3A_249 = tpu.memref_slice %arg8[%dma_wait3A_247, %dma_wait3A_248] : memref<4x128xf32, #tpu.memory_space<vmem>> -> memref<1x128xf32, #tpu.memory_space<vmem>>
    %dma_wait3A_250 = tpu.memref_squeeze %dma_wait3A_249 : memref<1x128xf32, #tpu.memory_space<vmem>> -> memref<128xf32, #tpu.memory_space<vmem>>
    %dma_wait3A_251 = arith.constant 0 : i32
    %dma_wait3A_252 = tpu.memref_slice %arg7[%dma_wait3A_246, %dma_wait3A_251] : memref<4x128xi32, #tpu.memory_space<vmem>> -> memref<1x128xi32, #tpu.memory_space<vmem>>
    %dma_wait3A_253 = tpu.memref_squeeze %dma_wait3A_252 : memref<1x128xi32, #tpu.memory_space<vmem>> -> memref<128xi32, #tpu.memory_space<vmem>>
    %dma_wait3A_254 = arith.constant 0 : i32
    %dma_wait3A_255 = tpu.memref_slice %arg10[%dma_wait3A_254] : memref<1000xf32, #tpu.memory_space<vmem_shared>> -> memref<1000xf32, #tpu.memory_space<vmem_shared>>
    tpu.wait_indirect_dma semaphore(%arg12 : memref<!tpu.dma_semaphore, #tpu.memory_space<semaphore_mem>>) src(%dma_wait3A_255 : memref<1000xf32, #tpu.memory_space<vmem_shared>>) dst(%dma_wait3A_250 : memref<128xf32, #tpu.memory_space<vmem>>)
    %dma_start3A_256 = arith.constant 1 : i32
    %dma_start3A_257 = arith.constant 1 : i32
    %dma_start3A_258 = arith.constant 0 : i32
    %dma_start3A_259 = tpu.memref_slice %arg8[%dma_start3A_256, %dma_start3A_258] : memref<4x128xf32, #tpu.memory_space<vmem>> -> memref<1x128xf32, #tpu.memory_space<vmem>>
    %dma_start3A_260 = tpu.memref_squeeze %dma_start3A_259 : memref<1x128xf32, #tpu.memory_space<vmem>> -> memref<128xf32, #tpu.memory_space<vmem>>
    %dma_start3A_261 = arith.constant 0 : i32
    %dma_start3A_262 = tpu.memref_slice %arg5[%add3A, %dma_start3A_257, %dma_start3A_261] : memref<32x4x128xf32, #tpu.memory_space<hbm>> -> memref<1x1x128xf32, #tpu.memory_space<hbm>>
    %dma_start3A_263 = tpu.memref_squeeze %dma_start3A_262 : memref<1x1x128xf32, #tpu.memory_space<hbm>> -> memref<128xf32, #tpu.memory_space<hbm>>
    %dma_start3A_264 = arith.constant 0 : i32
    %dma_start3A_265 = tpu.memref_slice %arg5[%add3A, %dma_start3A_257, %dma_start3A_264] : memref<32x4x128xf32, #tpu.memory_space<hbm>> -> memref<1x1x128xf32, #tpu.memory_space<hbm>>
    %dma_start3A_266 = tpu.memref_squeeze %dma_start3A_265 : memref<1x1x128xf32, #tpu.memory_space<hbm>> -> memref<128xf32, #tpu.memory_space<hbm>>
    %dma_start3A_267 = arith.constant 0 : i32
    %dma_start3A_268 = tpu.memref_slice %arg8[%dma_start3A_256, %dma_start3A_267] : memref<4x128xf32, #tpu.memory_space<vmem>> -> memref<1x128xf32, #tpu.memory_space<vmem>>
    %dma_start3A_269 = tpu.memref_squeeze %dma_start3A_268 : memref<1x128xf32, #tpu.memory_space<vmem>> -> memref<128xf32, #tpu.memory_space<vmem>>
    tpu.enqueue_dma source(%dma_start3A_269 : memref<128xf32, #tpu.memory_space<vmem>>) target(%dma_start3A_266 : memref<128xf32, #tpu.memory_space<hbm>>) target_semaphore(%arg14 : memref<!tpu.dma_semaphore, #tpu.memory_space<semaphore_mem>>)
    %dma_wait3A_270 = arith.constant 1 : i32
    %dma_wait3A_271 = arith.constant 1 : i32
    %dma_wait3A_272 = arith.constant 0 : i32
    %dma_wait3A_273 = tpu.memref_slice %arg9[%dma_wait3A_271, %dma_wait3A_272] : memref<4x128xf32, #tpu.memory_space<vmem>> -> memref<1x128xf32, #tpu.memory_space<vmem>>
    %dma_wait3A_274 = tpu.memref_squeeze %dma_wait3A_273 : memref<1x128xf32, #tpu.memory_space<vmem>> -> memref<128xf32, #tpu.memory_space<vmem>>
    %dma_wait3A_275 = arith.constant 0 : i32
    %dma_wait3A_276 = tpu.memref_slice %arg7[%dma_wait3A_270, %dma_wait3A_275] : memref<4x128xi32, #tpu.memory_space<vmem>> -> memref<1x128xi32, #tpu.memory_space<vmem>>
    %dma_wait3A_277 = tpu.memref_squeeze %dma_wait3A_276 : memref<1x128xi32, #tpu.memory_space<vmem>> -> memref<128xi32, #tpu.memory_space<vmem>>
    %dma_wait3A_278 = arith.constant 0 : i32
    %dma_wait3A_279 = tpu.memref_slice %arg11[%dma_wait3A_278] : memref<1000xf32, #tpu.memory_space<vmem_shared>> -> memref<1000xf32, #tpu.memory_space<vmem_shared>>
    tpu.wait_indirect_dma semaphore(%arg13 : memref<!tpu.dma_semaphore, #tpu.memory_space<semaphore_mem>>) src(%dma_wait3A_279 : memref<1000xf32, #tpu.memory_space<vmem_shared>>) dst(%dma_wait3A_274 : memref<128xf32, #tpu.memory_space<vmem>>)
    %dma_start3A_280 = arith.constant 1 : i32
    %dma_start3A_281 = arith.constant 1 : i32
    %dma_start3A_282 = arith.constant 0 : i32
    %dma_start3A_283 = tpu.memref_slice %arg9[%dma_start3A_280, %dma_start3A_282] : memref<4x128xf32, #tpu.memory_space<vmem>> -> memref<1x128xf32, #tpu.memory_space<vmem>>
    %dma_start3A_284 = tpu.memref_squeeze %dma_start3A_283 : memref<1x128xf32, #tpu.memory_space<vmem>> -> memref<128xf32, #tpu.memory_space<vmem>>
    %dma_start3A_285 = arith.constant 0 : i32
    %dma_start3A_286 = tpu.memref_slice %arg6[%add3A, %dma_start3A_281, %dma_start3A_285] : memref<32x4x128xf32, #tpu.memory_space<hbm>> -> memref<1x1x128xf32, #tpu.memory_space<hbm>>
    %dma_start3A_287 = tpu.memref_squeeze %dma_start3A_286 : memref<1x1x128xf32, #tpu.memory_space<hbm>> -> memref<128xf32, #tpu.memory_space<hbm>>
    %dma_start3A_288 = arith.constant 0 : i32
    %dma_start3A_289 = tpu.memref_slice %arg6[%add3A, %dma_start3A_281, %dma_start3A_288] : memref<32x4x128xf32, #tpu.memory_space<hbm>> -> memref<1x1x128xf32, #tpu.memory_space<hbm>>
    %dma_start3A_290 = tpu.memref_squeeze %dma_start3A_289 : memref<1x1x128xf32, #tpu.memory_space<hbm>> -> memref<128xf32, #tpu.memory_space<hbm>>
    %dma_start3A_291 = arith.constant 0 : i32
    %dma_start3A_292 = tpu.memref_slice %arg9[%dma_start3A_280, %dma_start3A_291] : memref<4x128xf32, #tpu.memory_space<vmem>> -> memref<1x128xf32, #tpu.memory_space<vmem>>
    %dma_start3A_293 = tpu.memref_squeeze %dma_start3A_292 : memref<1x128xf32, #tpu.memory_space<vmem>> -> memref<128xf32, #tpu.memory_space<vmem>>
    tpu.enqueue_dma source(%dma_start3A_293 : memref<128xf32, #tpu.memory_space<vmem>>) target(%dma_start3A_290 : memref<128xf32, #tpu.memory_space<hbm>>) target_semaphore(%arg14 : memref<!tpu.dma_semaphore, #tpu.memory_space<semaphore_mem>>)
    %dma_wait3A_294 = arith.constant 2 : i32
    %dma_wait3A_295 = arith.constant 2 : i32
    %dma_wait3A_296 = arith.constant 0 : i32
    %dma_wait3A_297 = tpu.memref_slice %arg8[%dma_wait3A_295, %dma_wait3A_296] : memref<4x128xf32, #tpu.memory_space<vmem>> -> memref<1x128xf32, #tpu.memory_space<vmem>>
    %dma_wait3A_298 = tpu.memref_squeeze %dma_wait3A_297 : memref<1x128xf32, #tpu.memory_space<vmem>> -> memref<128xf32, #tpu.memory_space<vmem>>
    %dma_wait3A_299 = arith.constant 0 : i32
    %dma_wait3A_300 = tpu.memref_slice %arg7[%dma_wait3A_294, %dma_wait3A_299] : memref<4x128xi32, #tpu.memory_space<vmem>> -> memref<1x128xi32, #tpu.memory_space<vmem>>
    %dma_wait3A_301 = tpu.memref_squeeze %dma_wait3A_300 : memref<1x128xi32, #tpu.memory_space<vmem>> -> memref<128xi32, #tpu.memory_space<vmem>>
    %dma_wait3A_302 = arith.constant 0 : i32
    %dma_wait3A_303 = tpu.memref_slice %arg10[%dma_wait3A_302] : memref<1000xf32, #tpu.memory_space<vmem_shared>> -> memref<1000xf32, #tpu.memory_space<vmem_shared>>
    tpu.wait_indirect_dma semaphore(%arg12 : memref<!tpu.dma_semaphore, #tpu.memory_space<semaphore_mem>>) src(%dma_wait3A_303 : memref<1000xf32, #tpu.memory_space<vmem_shared>>) dst(%dma_wait3A_298 : memref<128xf32, #tpu.memory_space<vmem>>)
    %dma_start3A_304 = arith.constant 2 : i32
    %dma_start3A_305 = arith.constant 2 : i32
    %dma_start3A_306 = arith.constant 0 : i32
    %dma_start3A_307 = tpu.memref_slice %arg8[%dma_start3A_304, %dma_start3A_306] : memref<4x128xf32, #tpu.memory_space<vmem>> -> memref<1x128xf32, #tpu.memory_space<vmem>>
    %dma_start3A_308 = tpu.memref_squeeze %dma_start3A_307 : memref<1x128xf32, #tpu.memory_space<vmem>> -> memref<128xf32, #tpu.memory_space<vmem>>
    %dma_start3A_309 = arith.constant 0 : i32
    %dma_start3A_310 = tpu.memref_slice %arg5[%add3A, %dma_start3A_305, %dma_start3A_309] : memref<32x4x128xf32, #tpu.memory_space<hbm>> -> memref<1x1x128xf32, #tpu.memory_space<hbm>>
    %dma_start3A_311 = tpu.memref_squeeze %dma_start3A_310 : memref<1x1x128xf32, #tpu.memory_space<hbm>> -> memref<128xf32, #tpu.memory_space<hbm>>
    %dma_start3A_312 = arith.constant 0 : i32
    %dma_start3A_313 = tpu.memref_slice %arg5[%add3A, %dma_start3A_305, %dma_start3A_312] : memref<32x4x128xf32, #tpu.memory_space<hbm>> -> memref<1x1x128xf32, #tpu.memory_space<hbm>>
    %dma_start3A_314 = tpu.memref_squeeze %dma_start3A_313 : memref<1x1x128xf32, #tpu.memory_space<hbm>> -> memref<128xf32, #tpu.memory_space<hbm>>
    %dma_start3A_315 = arith.constant 0 : i32
    %dma_start3A_316 = tpu.memref_slice %arg8[%dma_start3A_304, %dma_start3A_315] : memref<4x128xf32, #tpu.memory_space<vmem>> -> memref<1x128xf32, #tpu.memory_space<vmem>>
    %dma_start3A_317 = tpu.memref_squeeze %dma_start3A_316 : memref<1x128xf32, #tpu.memory_space<vmem>> -> memref<128xf32, #tpu.memory_space<vmem>>
    tpu.enqueue_dma source(%dma_start3A_317 : memref<128xf32, #tpu.memory_space<vmem>>) target(%dma_start3A_314 : memref<128xf32, #tpu.memory_space<hbm>>) target_semaphore(%arg14 : memref<!tpu.dma_semaphore, #tpu.memory_space<semaphore_mem>>)
    %dma_wait3A_318 = arith.constant 2 : i32
    %dma_wait3A_319 = arith.constant 2 : i32
    %dma_wait3A_320 = arith.constant 0 : i32
    %dma_wait3A_321 = tpu.memref_slice %arg9[%dma_wait3A_319, %dma_wait3A_320] : memref<4x128xf32, #tpu.memory_space<vmem>> -> memref<1x128xf32, #tpu.memory_space<vmem>>
    %dma_wait3A_322 = tpu.memref_squeeze %dma_wait3A_321 : memref<1x128xf32, #tpu.memory_space<vmem>> -> memref<128xf32, #tpu.memory_space<vmem>>
    %dma_wait3A_323 = arith.constant 0 : i32
    %dma_wait3A_324 = tpu.memref_slice %arg7[%dma_wait3A_318, %dma_wait3A_323] : memref<4x128xi32, #tpu.memory_space<vmem>> -> memref<1x128xi32, #tpu.memory_space<vmem>>
    %dma_wait3A_325 = tpu.memref_squeeze %dma_wait3A_324 : memref<1x128xi32, #tpu.memory_space<vmem>> -> memref<128xi32, #tpu.memory_space<vmem>>
    %dma_wait3A_326 = arith.constant 0 : i32
    %dma_wait3A_327 = tpu.memref_slice %arg11[%dma_wait3A_326] : memref<1000xf32, #tpu.memory_space<vmem_shared>> -> memref<1000xf32, #tpu.memory_space<vmem_shared>>
    tpu.wait_indirect_dma semaphore(%arg13 : memref<!tpu.dma_semaphore, #tpu.memory_space<semaphore_mem>>) src(%dma_wait3A_327 : memref<1000xf32, #tpu.memory_space<vmem_shared>>) dst(%dma_wait3A_322 : memref<128xf32, #tpu.memory_space<vmem>>)
    %dma_start3A_328 = arith.constant 2 : i32
    %dma_start3A_329 = arith.constant 2 : i32
    %dma_start3A_330 = arith.constant 0 : i32
    %dma_start3A_331 = tpu.memref_slice %arg9[%dma_start3A_328, %dma_start3A_330] : memref<4x128xf32, #tpu.memory_space<vmem>> -> memref<1x128xf32, #tpu.memory_space<vmem>>
    %dma_start3A_332 = tpu.memref_squeeze %dma_start3A_331 : memref<1x128xf32, #tpu.memory_space<vmem>> -> memref<128xf32, #tpu.memory_space<vmem>>
    %dma_start3A_333 = arith.constant 0 : i32
    %dma_start3A_334 = tpu.memref_slice %arg6[%add3A, %dma_start3A_329, %dma_start3A_333] : memref<32x4x128xf32, #tpu.memory_space<hbm>> -> memref<1x1x128xf32, #tpu.memory_space<hbm>>
    %dma_start3A_335 = tpu.memref_squeeze %dma_start3A_334 : memref<1x1x128xf32, #tpu.memory_space<hbm>> -> memref<128xf32, #tpu.memory_space<hbm>>
    %dma_start3A_336 = arith.constant 0 : i32
    %dma_start3A_337 = tpu.memref_slice %arg6[%add3A, %dma_start3A_329, %dma_start3A_336] : memref<32x4x128xf32, #tpu.memory_space<hbm>> -> memref<1x1x128xf32, #tpu.memory_space<hbm>>
    %dma_start3A_338 = tpu.memref_squeeze %dma_start3A_337 : memref<1x1x128xf32, #tpu.memory_space<hbm>> -> memref<128xf32, #tpu.memory_space<hbm>>
    %dma_start3A_339 = arith.constant 0 : i32
    %dma_start3A_340 = tpu.memref_slice %arg9[%dma_start3A_328, %dma_start3A_339] : memref<4x128xf32, #tpu.memory_space<vmem>> -> memref<1x128xf32, #tpu.memory_space<vmem>>
    %dma_start3A_341 = tpu.memref_squeeze %dma_start3A_340 : memref<1x128xf32, #tpu.memory_space<vmem>> -> memref<128xf32, #tpu.memory_space<vmem>>
    tpu.enqueue_dma source(%dma_start3A_341 : memref<128xf32, #tpu.memory_space<vmem>>) target(%dma_start3A_338 : memref<128xf32, #tpu.memory_space<hbm>>) target_semaphore(%arg14 : memref<!tpu.dma_semaphore, #tpu.memory_space<semaphore_mem>>)
    %dma_wait3A_342 = arith.constant 3 : i32
    %dma_wait3A_343 = arith.constant 3 : i32
    %dma_wait3A_344 = arith.constant 0 : i32
    %dma_wait3A_345 = tpu.memref_slice %arg8[%dma_wait3A_343, %dma_wait3A_344] : memref<4x128xf32, #tpu.memory_space<vmem>> -> memref<1x128xf32, #tpu.memory_space<vmem>>
    %dma_wait3A_346 = tpu.memref_squeeze %dma_wait3A_345 : memref<1x128xf32, #tpu.memory_space<vmem>> -> memref<128xf32, #tpu.memory_space<vmem>>
    %dma_wait3A_347 = arith.constant 0 : i32
    %dma_wait3A_348 = tpu.memref_slice %arg7[%dma_wait3A_342, %dma_wait3A_347] : memref<4x128xi32, #tpu.memory_space<vmem>> -> memref<1x128xi32, #tpu.memory_space<vmem>>
    %dma_wait3A_349 = tpu.memref_squeeze %dma_wait3A_348 : memref<1x128xi32, #tpu.memory_space<vmem>> -> memref<128xi32, #tpu.memory_space<vmem>>
    %dma_wait3A_350 = arith.constant 0 : i32
    %dma_wait3A_351 = tpu.memref_slice %arg10[%dma_wait3A_350] : memref<1000xf32, #tpu.memory_space<vmem_shared>> -> memref<1000xf32, #tpu.memory_space<vmem_shared>>
    tpu.wait_indirect_dma semaphore(%arg12 : memref<!tpu.dma_semaphore, #tpu.memory_space<semaphore_mem>>) src(%dma_wait3A_351 : memref<1000xf32, #tpu.memory_space<vmem_shared>>) dst(%dma_wait3A_346 : memref<128xf32, #tpu.memory_space<vmem>>)
    %dma_start3A_352 = arith.constant 3 : i32
    %dma_start3A_353 = arith.constant 3 : i32
    %dma_start3A_354 = arith.constant 0 : i32
    %dma_start3A_355 = tpu.memref_slice %arg8[%dma_start3A_352, %dma_start3A_354] : memref<4x128xf32, #tpu.memory_space<vmem>> -> memref<1x128xf32, #tpu.memory_space<vmem>>
    %dma_start3A_356 = tpu.memref_squeeze %dma_start3A_355 : memref<1x128xf32, #tpu.memory_space<vmem>> -> memref<128xf32, #tpu.memory_space<vmem>>
    %dma_start3A_357 = arith.constant 0 : i32
    %dma_start3A_358 = tpu.memref_slice %arg5[%add3A, %dma_start3A_353, %dma_start3A_357] : memref<32x4x128xf32, #tpu.memory_space<hbm>> -> memref<1x1x128xf32, #tpu.memory_space<hbm>>
    %dma_start3A_359 = tpu.memref_squeeze %dma_start3A_358 : memref<1x1x128xf32, #tpu.memory_space<hbm>> -> memref<128xf32, #tpu.memory_space<hbm>>
    %dma_start3A_360 = arith.constant 0 : i32
    %dma_start3A_361 = tpu.memref_slice %arg5[%add3A, %dma_start3A_353, %dma_start3A_360] : memref<32x4x128xf32, #tpu.memory_space<hbm>> -> memref<1x1x128xf32, #tpu.memory_space<hbm>>
    %dma_start3A_362 = tpu.memref_squeeze %dma_start3A_361 : memref<1x1x128xf32, #tpu.memory_space<hbm>> -> memref<128xf32, #tpu.memory_space<hbm>>
    %dma_start3A_363 = arith.constant 0 : i32
    %dma_start3A_364 = tpu.memref_slice %arg8[%dma_start3A_352, %dma_start3A_363] : memref<4x128xf32, #tpu.memory_space<vmem>> -> memref<1x128xf32, #tpu.memory_space<vmem>>
    %dma_start3A_365 = tpu.memref_squeeze %dma_start3A_364 : memref<1x128xf32, #tpu.memory_space<vmem>> -> memref<128xf32, #tpu.memory_space<vmem>>
    tpu.enqueue_dma source(%dma_start3A_365 : memref<128xf32, #tpu.memory_space<vmem>>) target(%dma_start3A_362 : memref<128xf32, #tpu.memory_space<hbm>>) target_semaphore(%arg14 : memref<!tpu.dma_semaphore, #tpu.memory_space<semaphore_mem>>)
    %dma_wait3A_366 = arith.constant 3 : i32
    %dma_wait3A_367 = arith.constant 3 : i32
    %dma_wait3A_368 = arith.constant 0 : i32
    %dma_wait3A_369 = tpu.memref_slice %arg9[%dma_wait3A_367, %dma_wait3A_368] : memref<4x128xf32, #tpu.memory_space<vmem>> -> memref<1x128xf32, #tpu.memory_space<vmem>>
    %dma_wait3A_370 = tpu.memref_squeeze %dma_wait3A_369 : memref<1x128xf32, #tpu.memory_space<vmem>> -> memref<128xf32, #tpu.memory_space<vmem>>
    %dma_wait3A_371 = arith.constant 0 : i32
    %dma_wait3A_372 = tpu.memref_slice %arg7[%dma_wait3A_366, %dma_wait3A_371] : memref<4x128xi32, #tpu.memory_space<vmem>> -> memref<1x128xi32, #tpu.memory_space<vmem>>
    %dma_wait3A_373 = tpu.memref_squeeze %dma_wait3A_372 : memref<1x128xi32, #tpu.memory_space<vmem>> -> memref<128xi32, #tpu.memory_space<vmem>>
    %dma_wait3A_374 = arith.constant 0 : i32
    %dma_wait3A_375 = tpu.memref_slice %arg11[%dma_wait3A_374] : memref<1000xf32, #tpu.memory_space<vmem_shared>> -> memref<1000xf32, #tpu.memory_space<vmem_shared>>
    tpu.wait_indirect_dma semaphore(%arg13 : memref<!tpu.dma_semaphore, #tpu.memory_space<semaphore_mem>>) src(%dma_wait3A_375 : memref<1000xf32, #tpu.memory_space<vmem_shared>>) dst(%dma_wait3A_370 : memref<128xf32, #tpu.memory_space<vmem>>)
    %dma_start3A_376 = arith.constant 3 : i32
    %dma_start3A_377 = arith.constant 3 : i32
    %dma_start3A_378 = arith.constant 0 : i32
    %dma_start3A_379 = tpu.memref_slice %arg9[%dma_start3A_376, %dma_start3A_378] : memref<4x128xf32, #tpu.memory_space<vmem>> -> memref<1x128xf32, #tpu.memory_space<vmem>>
    %dma_start3A_380 = tpu.memref_squeeze %dma_start3A_379 : memref<1x128xf32, #tpu.memory_space<vmem>> -> memref<128xf32, #tpu.memory_space<vmem>>
    %dma_start3A_381 = arith.constant 0 : i32
    %dma_start3A_382 = tpu.memref_slice %arg6[%add3A, %dma_start3A_377, %dma_start3A_381] : memref<32x4x128xf32, #tpu.memory_space<hbm>> -> memref<1x1x128xf32, #tpu.memory_space<hbm>>
    %dma_start3A_383 = tpu.memref_squeeze %dma_start3A_382 : memref<1x1x128xf32, #tpu.memory_space<hbm>> -> memref<128xf32, #tpu.memory_space<hbm>>
    %dma_start3A_384 = arith.constant 0 : i32
    %dma_start3A_385 = tpu.memref_slice %arg6[%add3A, %dma_start3A_377, %dma_start3A_384] : memref<32x4x128xf32, #tpu.memory_space<hbm>> -> memref<1x1x128xf32, #tpu.memory_space<hbm>>
    %dma_start3A_386 = tpu.memref_squeeze %dma_start3A_385 : memref<1x1x128xf32, #tpu.memory_space<hbm>> -> memref<128xf32, #tpu.memory_space<hbm>>
    %dma_start3A_387 = arith.constant 0 : i32
    %dma_start3A_388 = tpu.memref_slice %arg9[%dma_start3A_376, %dma_start3A_387] : memref<4x128xf32, #tpu.memory_space<vmem>> -> memref<1x128xf32, #tpu.memory_space<vmem>>
    %dma_start3A_389 = tpu.memref_squeeze %dma_start3A_388 : memref<1x128xf32, #tpu.memory_space<vmem>> -> memref<128xf32, #tpu.memory_space<vmem>>
    tpu.enqueue_dma source(%dma_start3A_389 : memref<128xf32, #tpu.memory_space<vmem>>) target(%dma_start3A_386 : memref<128xf32, #tpu.memory_space<hbm>>) target_semaphore(%arg14 : memref<!tpu.dma_semaphore, #tpu.memory_space<semaphore_mem>>)
    %dma_wait3A_390 = arith.constant 0 : i32
    %dma_wait3A_391 = arith.constant 0 : i32
    %dma_wait3A_392 = arith.constant 0 : i32
    %dma_wait3A_393 = tpu.memref_slice %arg8[%dma_wait3A_390, %dma_wait3A_392] : memref<4x128xf32, #tpu.memory_space<vmem>> -> memref<1x128xf32, #tpu.memory_space<vmem>>
    %dma_wait3A_394 = tpu.memref_squeeze %dma_wait3A_393 : memref<1x128xf32, #tpu.memory_space<vmem>> -> memref<128xf32, #tpu.memory_space<vmem>>
    %dma_wait3A_395 = arith.constant 0 : i32
    %dma_wait3A_396 = tpu.memref_slice %arg5[%add3A, %dma_wait3A_391, %dma_wait3A_395] : memref<32x4x128xf32, #tpu.memory_space<hbm>> -> memref<1x1x128xf32, #tpu.memory_space<hbm>>
    %dma_wait3A_397 = tpu.memref_squeeze %dma_wait3A_396 : memref<1x1x128xf32, #tpu.memory_space<hbm>> -> memref<128xf32, #tpu.memory_space<hbm>>
    %dma_wait3A_398 = arith.constant 0 : i32
    %dma_wait3A_399 = tpu.memref_slice %arg5[%add3A, %dma_wait3A_391, %dma_wait3A_398] : memref<32x4x128xf32, #tpu.memory_space<hbm>> -> memref<1x1x128xf32, #tpu.memory_space<hbm>>
    %dma_wait3A_400 = tpu.memref_squeeze %dma_wait3A_399 : memref<1x1x128xf32, #tpu.memory_space<hbm>> -> memref<128xf32, #tpu.memory_space<hbm>>
    %dma_wait3A_401 = arith.constant 0 : i32
    %dma_wait3A_402 = tpu.memref_slice %arg8[%dma_wait3A_390, %dma_wait3A_401] : memref<4x128xf32, #tpu.memory_space<vmem>> -> memref<1x128xf32, #tpu.memory_space<vmem>>
    %dma_wait3A_403 = tpu.memref_squeeze %dma_wait3A_402 : memref<1x128xf32, #tpu.memory_space<vmem>> -> memref<128xf32, #tpu.memory_space<vmem>>
    tpu.wait_dma2 semaphore(%arg14 : memref<!tpu.dma_semaphore, #tpu.memory_space<semaphore_mem>>) src(%dma_wait3A_403 : memref<128xf32, #tpu.memory_space<vmem>>) dst(%dma_wait3A_400 : memref<128xf32, #tpu.memory_space<hbm>>)
    %dma_wait3A_404 = arith.constant 0 : i32
    %dma_wait3A_405 = arith.constant 0 : i32
    %dma_wait3A_406 = arith.constant 0 : i32
    %dma_wait3A_407 = tpu.memref_slice %arg9[%dma_wait3A_404, %dma_wait3A_406] : memref<4x128xf32, #tpu.memory_space<vmem>> -> memref<1x128xf32, #tpu.memory_space<vmem>>
    %dma_wait3A_408 = tpu.memref_squeeze %dma_wait3A_407 : memref<1x128xf32, #tpu.memory_space<vmem>> -> memref<128xf32, #tpu.memory_space<vmem>>
    %dma_wait3A_409 = arith.constant 0 : i32
    %dma_wait3A_410 = tpu.memref_slice %arg6[%add3A, %dma_wait3A_405, %dma_wait3A_409] : memref<32x4x128xf32, #tpu.memory_space<hbm>> -> memref<1x1x128xf32, #tpu.memory_space<hbm>>
    %dma_wait3A_411 = tpu.memref_squeeze %dma_wait3A_410 : memref<1x1x128xf32, #tpu.memory_space<hbm>> -> memref<128xf32, #tpu.memory_space<hbm>>
    %dma_wait3A_412 = arith.constant 0 : i32
    %dma_wait3A_413 = tpu.memref_slice %arg6[%add3A, %dma_wait3A_405, %dma_wait3A_412] : memref<32x4x128xf32, #tpu.memory_space<hbm>> -> memref<1x1x128xf32, #tpu.memory_space<hbm>>
    %dma_wait3A_414 = tpu.memref_squeeze %dma_wait3A_413 : memref<1x1x128xf32, #tpu.memory_space<hbm>> -> memref<128xf32, #tpu.memory_space<hbm>>
    %dma_wait3A_415 = arith.constant 0 : i32
    %dma_wait3A_416 = tpu.memref_slice %arg9[%dma_wait3A_404, %dma_wait3A_415] : memref<4x128xf32, #tpu.memory_space<vmem>> -> memref<1x128xf32, #tpu.memory_space<vmem>>
    %dma_wait3A_417 = tpu.memref_squeeze %dma_wait3A_416 : memref<1x128xf32, #tpu.memory_space<vmem>> -> memref<128xf32, #tpu.memory_space<vmem>>
    tpu.wait_dma2 semaphore(%arg14 : memref<!tpu.dma_semaphore, #tpu.memory_space<semaphore_mem>>) src(%dma_wait3A_417 : memref<128xf32, #tpu.memory_space<vmem>>) dst(%dma_wait3A_414 : memref<128xf32, #tpu.memory_space<hbm>>)
    %dma_wait3A_418 = arith.constant 1 : i32
    %dma_wait3A_419 = arith.constant 1 : i32
    %dma_wait3A_420 = arith.constant 0 : i32
    %dma_wait3A_421 = tpu.memref_slice %arg8[%dma_wait3A_418, %dma_wait3A_420] : memref<4x128xf32, #tpu.memory_space<vmem>> -> memref<1x128xf32, #tpu.memory_space<vmem>>
    %dma_wait3A_422 = tpu.memref_squeeze %dma_wait3A_421 : memref<1x128xf32, #tpu.memory_space<vmem>> -> memref<128xf32, #tpu.memory_space<vmem>>
    %dma_wait3A_423 = arith.constant 0 : i32
    %dma_wait3A_424 = tpu.memref_slice %arg5[%add3A, %dma_wait3A_419, %dma_wait3A_423] : memref<32x4x128xf32, #tpu.memory_space<hbm>> -> memref<1x1x128xf32, #tpu.memory_space<hbm>>
    %dma_wait3A_425 = tpu.memref_squeeze %dma_wait3A_424 : memref<1x1x128xf32, #tpu.memory_space<hbm>> -> memref<128xf32, #tpu.memory_space<hbm>>
    %dma_wait3A_426 = arith.constant 0 : i32
    %dma_wait3A_427 = tpu.memref_slice %arg5[%add3A, %dma_wait3A_419, %dma_wait3A_426] : memref<32x4x128xf32, #tpu.memory_space<hbm>> -> memref<1x1x128xf32, #tpu.memory_space<hbm>>
    %dma_wait3A_428 = tpu.memref_squeeze %dma_wait3A_427 : memref<1x1x128xf32, #tpu.memory_space<hbm>> -> memref<128xf32, #tpu.memory_space<hbm>>
    %dma_wait3A_429 = arith.constant 0 : i32
    %dma_wait3A_430 = tpu.memref_slice %arg8[%dma_wait3A_418, %dma_wait3A_429] : memref<4x128xf32, #tpu.memory_space<vmem>> -> memref<1x128xf32, #tpu.memory_space<vmem>>
    %dma_wait3A_431 = tpu.memref_squeeze %dma_wait3A_430 : memref<1x128xf32, #tpu.memory_space<vmem>> -> memref<128xf32, #tpu.memory_space<vmem>>
    tpu.wait_dma2 semaphore(%arg14 : memref<!tpu.dma_semaphore, #tpu.memory_space<semaphore_mem>>) src(%dma_wait3A_431 : memref<128xf32, #tpu.memory_space<vmem>>) dst(%dma_wait3A_428 : memref<128xf32, #tpu.memory_space<hbm>>)
    %dma_wait3A_432 = arith.constant 1 : i32
    %dma_wait3A_433 = arith.constant 1 : i32
    %dma_wait3A_434 = arith.constant 0 : i32
    %dma_wait3A_435 = tpu.memref_slice %arg9[%dma_wait3A_432, %dma_wait3A_434] : memref<4x128xf32, #tpu.memory_space<vmem>> -> memref<1x128xf32, #tpu.memory_space<vmem>>
    %dma_wait3A_436 = tpu.memref_squeeze %dma_wait3A_435 : memref<1x128xf32, #tpu.memory_space<vmem>> -> memref<128xf32, #tpu.memory_space<vmem>>
    %dma_wait3A_437 = arith.constant 0 : i32
    %dma_wait3A_438 = tpu.memref_slice %arg6[%add3A, %dma_wait3A_433, %dma_wait3A_437] : memref<32x4x128xf32, #tpu.memory_space<hbm>> -> memref<1x1x128xf32, #tpu.memory_space<hbm>>
    %dma_wait3A_439 = tpu.memref_squeeze %dma_wait3A_438 : memref<1x1x128xf32, #tpu.memory_space<hbm>> -> memref<128xf32, #tpu.memory_space<hbm>>
    %dma_wait3A_440 = arith.constant 0 : i32
    %dma_wait3A_441 = tpu.memref_slice %arg6[%add3A, %dma_wait3A_433, %dma_wait3A_440] : memref<32x4x128xf32, #tpu.memory_space<hbm>> -> memref<1x1x128xf32, #tpu.memory_space<hbm>>
    %dma_wait3A_442 = tpu.memref_squeeze %dma_wait3A_441 : memref<1x1x128xf32, #tpu.memory_space<hbm>> -> memref<128xf32, #tpu.memory_space<hbm>>
    %dma_wait3A_443 = arith.constant 0 : i32
    %dma_wait3A_444 = tpu.memref_slice %arg9[%dma_wait3A_432, %dma_wait3A_443] : memref<4x128xf32, #tpu.memory_space<vmem>> -> memref<1x128xf32, #tpu.memory_space<vmem>>
    %dma_wait3A_445 = tpu.memref_squeeze %dma_wait3A_444 : memref<1x128xf32, #tpu.memory_space<vmem>> -> memref<128xf32, #tpu.memory_space<vmem>>
    tpu.wait_dma2 semaphore(%arg14 : memref<!tpu.dma_semaphore, #tpu.memory_space<semaphore_mem>>) src(%dma_wait3A_445 : memref<128xf32, #tpu.memory_space<vmem>>) dst(%dma_wait3A_442 : memref<128xf32, #tpu.memory_space<hbm>>)
    %dma_wait3A_446 = arith.constant 2 : i32
    %dma_wait3A_447 = arith.constant 2 : i32
    %dma_wait3A_448 = arith.constant 0 : i32
    %dma_wait3A_449 = tpu.memref_slice %arg8[%dma_wait3A_446, %dma_wait3A_448] : memref<4x128xf32, #tpu.memory_space<vmem>> -> memref<1x128xf32, #tpu.memory_space<vmem>>
    %dma_wait3A_450 = tpu.memref_squeeze %dma_wait3A_449 : memref<1x128xf32, #tpu.memory_space<vmem>> -> memref<128xf32, #tpu.memory_space<vmem>>
    %dma_wait3A_451 = arith.constant 0 : i32
    %dma_wait3A_452 = tpu.memref_slice %arg5[%add3A, %dma_wait3A_447, %dma_wait3A_451] : memref<32x4x128xf32, #tpu.memory_space<hbm>> -> memref<1x1x128xf32, #tpu.memory_space<hbm>>
    %dma_wait3A_453 = tpu.memref_squeeze %dma_wait3A_452 : memref<1x1x128xf32, #tpu.memory_space<hbm>> -> memref<128xf32, #tpu.memory_space<hbm>>
    %dma_wait3A_454 = arith.constant 0 : i32
    %dma_wait3A_455 = tpu.memref_slice %arg5[%add3A, %dma_wait3A_447, %dma_wait3A_454] : memref<32x4x128xf32, #tpu.memory_space<hbm>> -> memref<1x1x128xf32, #tpu.memory_space<hbm>>
    %dma_wait3A_456 = tpu.memref_squeeze %dma_wait3A_455 : memref<1x1x128xf32, #tpu.memory_space<hbm>> -> memref<128xf32, #tpu.memory_space<hbm>>
    %dma_wait3A_457 = arith.constant 0 : i32
    %dma_wait3A_458 = tpu.memref_slice %arg8[%dma_wait3A_446, %dma_wait3A_457] : memref<4x128xf32, #tpu.memory_space<vmem>> -> memref<1x128xf32, #tpu.memory_space<vmem>>
    %dma_wait3A_459 = tpu.memref_squeeze %dma_wait3A_458 : memref<1x128xf32, #tpu.memory_space<vmem>> -> memref<128xf32, #tpu.memory_space<vmem>>
    tpu.wait_dma2 semaphore(%arg14 : memref<!tpu.dma_semaphore, #tpu.memory_space<semaphore_mem>>) src(%dma_wait3A_459 : memref<128xf32, #tpu.memory_space<vmem>>) dst(%dma_wait3A_456 : memref<128xf32, #tpu.memory_space<hbm>>)
    %dma_wait3A_460 = arith.constant 2 : i32
    %dma_wait3A_461 = arith.constant 2 : i32
    %dma_wait3A_462 = arith.constant 0 : i32
    %dma_wait3A_463 = tpu.memref_slice %arg9[%dma_wait3A_460, %dma_wait3A_462] : memref<4x128xf32, #tpu.memory_space<vmem>> -> memref<1x128xf32, #tpu.memory_space<vmem>>
    %dma_wait3A_464 = tpu.memref_squeeze %dma_wait3A_463 : memref<1x128xf32, #tpu.memory_space<vmem>> -> memref<128xf32, #tpu.memory_space<vmem>>
    %dma_wait3A_465 = arith.constant 0 : i32
    %dma_wait3A_466 = tpu.memref_slice %arg6[%add3A, %dma_wait3A_461, %dma_wait3A_465] : memref<32x4x128xf32, #tpu.memory_space<hbm>> -> memref<1x1x128xf32, #tpu.memory_space<hbm>>
    %dma_wait3A_467 = tpu.memref_squeeze %dma_wait3A_466 : memref<1x1x128xf32, #tpu.memory_space<hbm>> -> memref<128xf32, #tpu.memory_space<hbm>>
    %dma_wait3A_468 = arith.constant 0 : i32
    %dma_wait3A_469 = tpu.memref_slice %arg6[%add3A, %dma_wait3A_461, %dma_wait3A_468] : memref<32x4x128xf32, #tpu.memory_space<hbm>> -> memref<1x1x128xf32, #tpu.memory_space<hbm>>
    %dma_wait3A_470 = tpu.memref_squeeze %dma_wait3A_469 : memref<1x1x128xf32, #tpu.memory_space<hbm>> -> memref<128xf32, #tpu.memory_space<hbm>>
    %dma_wait3A_471 = arith.constant 0 : i32
    %dma_wait3A_472 = tpu.memref_slice %arg9[%dma_wait3A_460, %dma_wait3A_471] : memref<4x128xf32, #tpu.memory_space<vmem>> -> memref<1x128xf32, #tpu.memory_space<vmem>>
    %dma_wait3A_473 = tpu.memref_squeeze %dma_wait3A_472 : memref<1x128xf32, #tpu.memory_space<vmem>> -> memref<128xf32, #tpu.memory_space<vmem>>
    tpu.wait_dma2 semaphore(%arg14 : memref<!tpu.dma_semaphore, #tpu.memory_space<semaphore_mem>>) src(%dma_wait3A_473 : memref<128xf32, #tpu.memory_space<vmem>>) dst(%dma_wait3A_470 : memref<128xf32, #tpu.memory_space<hbm>>)
    %dma_wait3A_474 = arith.constant 3 : i32
    %dma_wait3A_475 = arith.constant 3 : i32
    %dma_wait3A_476 = arith.constant 0 : i32
    %dma_wait3A_477 = tpu.memref_slice %arg8[%dma_wait3A_474, %dma_wait3A_476] : memref<4x128xf32, #tpu.memory_space<vmem>> -> memref<1x128xf32, #tpu.memory_space<vmem>>
    %dma_wait3A_478 = tpu.memref_squeeze %dma_wait3A_477 : memref<1x128xf32, #tpu.memory_space<vmem>> -> memref<128xf32, #tpu.memory_space<vmem>>
    %dma_wait3A_479 = arith.constant 0 : i32
    %dma_wait3A_480 = tpu.memref_slice %arg5[%add3A, %dma_wait3A_475, %dma_wait3A_479] : memref<32x4x128xf32, #tpu.memory_space<hbm>> -> memref<1x1x128xf32, #tpu.memory_space<hbm>>
    %dma_wait3A_481 = tpu.memref_squeeze %dma_wait3A_480 : memref<1x1x128xf32, #tpu.memory_space<hbm>> -> memref<128xf32, #tpu.memory_space<hbm>>
    %dma_wait3A_482 = arith.constant 0 : i32
    %dma_wait3A_483 = tpu.memref_slice %arg5[%add3A, %dma_wait3A_475, %dma_wait3A_482] : memref<32x4x128xf32, #tpu.memory_space<hbm>> -> memref<1x1x128xf32, #tpu.memory_space<hbm>>
    %dma_wait3A_484 = tpu.memref_squeeze %dma_wait3A_483 : memref<1x1x128xf32, #tpu.memory_space<hbm>> -> memref<128xf32, #tpu.memory_space<hbm>>
    %dma_wait3A_485 = arith.constant 0 : i32
    %dma_wait3A_486 = tpu.memref_slice %arg8[%dma_wait3A_474, %dma_wait3A_485] : memref<4x128xf32, #tpu.memory_space<vmem>> -> memref<1x128xf32, #tpu.memory_space<vmem>>
    %dma_wait3A_487 = tpu.memref_squeeze %dma_wait3A_486 : memref<1x128xf32, #tpu.memory_space<vmem>> -> memref<128xf32, #tpu.memory_space<vmem>>
    tpu.wait_dma2 semaphore(%arg14 : memref<!tpu.dma_semaphore, #tpu.memory_space<semaphore_mem>>) src(%dma_wait3A_487 : memref<128xf32, #tpu.memory_space<vmem>>) dst(%dma_wait3A_484 : memref<128xf32, #tpu.memory_space<hbm>>)
    %dma_wait3A_488 = arith.constant 3 : i32
    %dma_wait3A_489 = arith.constant 3 : i32
    %dma_wait3A_490 = arith.constant 0 : i32
    %dma_wait3A_491 = tpu.memref_slice %arg9[%dma_wait3A_488, %dma_wait3A_490] : memref<4x128xf32, #tpu.memory_space<vmem>> -> memref<1x128xf32, #tpu.memory_space<vmem>>
    %dma_wait3A_492 = tpu.memref_squeeze %dma_wait3A_491 : memref<1x128xf32, #tpu.memory_space<vmem>> -> memref<128xf32, #tpu.memory_space<vmem>>
    %dma_wait3A_493 = arith.constant 0 : i32
    %dma_wait3A_494 = tpu.memref_slice %arg6[%add3A, %dma_wait3A_489, %dma_wait3A_493] : memref<32x4x128xf32, #tpu.memory_space<hbm>> -> memref<1x1x128xf32, #tpu.memory_space<hbm>>
    %dma_wait3A_495 = tpu.memref_squeeze %dma_wait3A_494 : memref<1x1x128xf32, #tpu.memory_space<hbm>> -> memref<128xf32, #tpu.memory_space<hbm>>
    %dma_wait3A_496 = arith.constant 0 : i32
    %dma_wait3A_497 = tpu.memref_slice %arg6[%add3A, %dma_wait3A_489, %dma_wait3A_496] : memref<32x4x128xf32, #tpu.memory_space<hbm>> -> memref<1x1x128xf32, #tpu.memory_space<hbm>>
    %dma_wait3A_498 = tpu.memref_squeeze %dma_wait3A_497 : memref<1x1x128xf32, #tpu.memory_space<hbm>> -> memref<128xf32, #tpu.memory_space<hbm>>
    %dma_wait3A_499 = arith.constant 0 : i32
    %dma_wait3A_500 = tpu.memref_slice %arg9[%dma_wait3A_488, %dma_wait3A_499] : memref<4x128xf32, #tpu.memory_space<vmem>> -> memref<1x128xf32, #tpu.memory_space<vmem>>
    %dma_wait3A_501 = tpu.memref_squeeze %dma_wait3A_500 : memref<1x128xf32, #tpu.memory_space<vmem>> -> memref<128xf32, #tpu.memory_space<vmem>>
    tpu.wait_dma2 semaphore(%arg14 : memref<!tpu.dma_semaphore, #tpu.memory_space<semaphore_mem>>) src(%dma_wait3A_501 : memref<128xf32, #tpu.memory_space<vmem>>) dst(%dma_wait3A_498 : memref<128xf32, #tpu.memory_space<hbm>>)
    return
  }
}

</mosaic_0001>

<sc_bundles>
// kernel: kernel.3.cloned.1.call-start
scs
__scs_entry_jumppad:
0x0: {  	(pc) =	sbr.rel $0x88, $3  }
0x1: {  	(tag) =	ssettag $0x0;
	lr =	simm.s32 $0x1  }
0x2: {  	[smem:$0x3F9E] =	sst lr;
	_ =	strace $0xD0000000  }
0x3: {  	_ = 	snop  }
0x4: {  	_ = 	snop  }
0x5: {  	_ = 	snop  }
0x6: {  	_ = 	snop  }
0x7: {  	_ = 	snop  }
__scs_overlays_trampoline_lowered:
0x8: {  	[smem:$0x3FAD] =	sst s0  }
0x9: {  	[smem:$0x3FAE] =	sst s1  }
0xa: {  	[smem:$0x3FAF] =	sst s2  }
0xb: {  	[smem:$0x3FB0] =	sst s3  }
0xc: {  	[smem:$0x3FB1] =	sst s4  }
0xd: {  	[smem:$0x3FB2] =	sst s5  }
0xe: {  	[smem:$0x3FB3] =	sst s6  }
0xf: {  	[smem:$0x3FB4] =	sst s7  }
0x10: {  	[smem:$0x3FB5] =	sst s8  }
0x11: {  	[smem:$0x3FB6] =	sst s9;
	s0 =	simm.s32 @!p0 $0x0  }
0x12: {  	s1 =	sld [smem:$0x3F9C];
	s0 =	simm.s32 @p0 $0x1  }
0x13: {  	[smem:$0x3FB7] =	sst s0;
	s0 =	simm.s32 @!p1 $0x0  }
0x14: {  	s2 =	sld [smem:$0x3F9B];
	s0 =	simm.s32 @p1 $0x1  }
0x15: {  	[smem:$0x3FB8] =	sst s0;
	s0 =	simm.s32 @!p2 $0x0  }
0x16: {  	s3 =	sld [smem:$0x3FDB];
	s0 =	simm.s32 @p2 $0x1  }
0x17: {  	s4 =	simm.s32 $0x1BF5;
	[smem:$0x3FBA] =	sst s0  }
0x18: {  	s0 =	sld [smem:$0x3F9D];
	_ =	swait.ge [sflag:s4], $0x0  }
0x19: {  	s7 =	sld [smem:$0x3F9E]  }
0x1a: {  	s8 =	sadd.s32 $0xFFFFE003, lr  }
0x1b: {  	s9 =	sadd.s32 $0xFFFFFEF7, lr;
	s5 =	simm.s32 $0xFFFFFFFF;
	p2 =	slt.u32 s8, $0xFFFFF086  }
0x1c: {  	p1 =	slt.u32 s9, $0xF7A;
	s5 =	simm.s32 @!p2 $0x0  }
0x1d: {  	s5 =	simm.s32 @p1 $0x1;
	p0 =	seq.s32 s7, s2  }
0x1e: {  	s7 =	smul.u32 @!p0 $0xF7A, s2;
	p2 =	seq.s32 @!p0 s5, $0x0  }
0x1f: {  	s9 =	smul.u32 $0xF7A, s1;
	s8 =	simm.s32 @!p0 $0x1BF5;
	p2 =	por !p2, p0  }
0x20: {  	[sflag:s8] =	ssyncset.s32 @!p0 $0xFFFFF086;
	s6 =	sadd.s32 @!p0 s3, s7;
	s7 =	simm.s32 @!p0 $0x108  }
0x21: {  	s3 =	sadd.s32 s3, s9;
	s6 =	sadd.s32 @!p0 $0x88, s6;
	s7 =	simm.s32 @p2 $0x1082  }
0x22: {  	[simem:s7], [sflag:s8] =	dma.local @!p0 [hbm:s6], $0xF7A  }
0x23: {  	s9 =	sor.u32 $0xD0000000, s2;
	s6 =	simm.s32 $0x108;
	_ =	swait.ge @!p0 [sflag:s8], $0x0  }
0x24: {  	s3 =	sadd.s32 $0x88, s3;
	s6 =	simm.s32 @!p1 $0x1082;
	[sflag:s4] =	ssyncset.s32 $0xFFFFF086  }
0x25: {  	[simem:s6], [sflag:s4] =	dma.local [hbm:s3], $0xF7A  }
0x26: {  	[smem:$0x3F9E] =	sst s1;
	(tag) =	ssettag s2;
	_ =	strace s9  }
0x27: {  	s1 =	sld [smem:$0x3FAE]  }
0x28: {  	s2 =	sld [smem:$0x3FAF]  }
0x29: {  	s4 =	sld [smem:$0x3FB1]  }
0x2a: {  	p0 =	seq.s32 s5, $0x0;
	s5 =	sld [smem:$0x3FB2]  }
0x2b: {  	s6 =	sld [smem:$0x3FB3]  }
0x2c: {  	s7 =	sld [smem:$0x3FB4]  }
0x2d: {  	s3 =	simm.s32 $0x108;
	s8 =	sld [smem:$0x3FB5]  }
0x2e: {  	s3 =	simm.s32 @!p0 $0x1082;
	s9 =	sld [smem:$0x3FB6]  }
0x2f: {  	lr =	sadd.s32 s0, s3;
	s0 =	sld [smem:$0x3FAD]  }
0x30: {  	s3 =	sld [smem:$0x3FB0]  }
0x31: {  	[smem:$0x3FB9] =	sst s10  }
0x32: {  	s10 =	sld [smem:$0x3FB7];
	_ =	sdelay $0x3  }
0x33: {  	p0 =	seq.s32 s10, $0x1;
	s10 =	sld [smem:$0x3FB9];
	_ =	sdelay $0x3  }
0x34: {  	[smem:$0x3FB9] =	sst s10  }
0x35: {  	s10 =	sld [smem:$0x3FB8];
	_ =	sdelay $0x3  }
0x36: {  	p1 =	seq.s32 s10, $0x1;
	s10 =	sld [smem:$0x3FB9];
	_ =	sdelay $0x3  }
0x37: {  	[smem:$0x3FB9] =	sst s10  }
0x38: {  	s10 =	sld [smem:$0x3FBA]  }
0x39: {  	_ = 	snop;
	(pc) =	sbr.ind lr, $3  }
0x3a: {  	_ = 	snop  }
0x3b: {  	_ = 	snop  }
0x3c: {  	p2 =	seq.s32 s10, $0x1;
	s10 =	sld [smem:$0x3FB9]  }
0x3d: {  	_ =	shalt  }
0x3e: {  	_ =	shalt  }
0x3f: {  	_ =	shalt  }
0x40: {  	_ =	shalt  }
0x41: {  	_ =	shalt  }
0x42: {  	_ =	shalt  }
0x43: {  	_ =	shalt  }
0x44: {  	_ =	shalt  }
0x45: {  	_ =	shalt  }
0x46: {  	_ =	shalt  }
0x47: {  	_ =	shalt  }
0x48: {  	_ =	shalt  }
0x49: {  	_ =	shalt  }
0x4a: {  	_ =	shalt  }
0x4b: {  	_ =	shalt  }
0x4c: {  	_ =	shalt  }
0x4d: {  	_ =	shalt  }
0x4e: {  	_ =	shalt  }
0x4f: {  	_ =	shalt  }
0x50: {  	_ =	shalt  }
0x51: {  	_ =	shalt  }
0x52: {  	_ =	shalt  }
0x53: {  	_ =	shalt  }
0x54: {  	_ =	shalt  }
0x55: {  	_ =	shalt  }
0x56: {  	_ =	shalt  }
0x57: {  	_ =	shalt  }
0x58: {  	_ =	shalt  }
0x59: {  	_ =	shalt  }
0x5a: {  	_ =	shalt  }
0x5b: {  	_ =	shalt  }
0x5c: {  	_ =	shalt  }
0x5d: {  	_ =	shalt  }
0x5e: {  	_ =	shalt  }
0x5f: {  	_ =	shalt  }
0x60: {  	_ =	shalt  }
0x61: {  	_ =	shalt  }
0x62: {  	_ =	shalt  }
0x63: {  	_ =	shalt  }
0x64: {  	_ =	shalt  }
0x65: {  	_ =	shalt  }
0x66: {  	_ =	shalt  }
0x67: {  	_ =	shalt  }
0x68: {  	_ =	shalt  }
0x69: {  	_ =	shalt  }
0x6a: {  	_ =	shalt  }
0x6b: {  	_ =	shalt  }
0x6c: {  	_ =	shalt  }
0x6d: {  	_ =	shalt  }
0x6e: {  	_ =	shalt  }
0x6f: {  	_ =	shalt  }
0x70: {  	_ =	shalt  }
0x71: {  	_ =	shalt  }
0x72: {  	_ =	shalt  }
0x73: {  	_ =	shalt  }
0x74: {  	_ =	shalt  }
0x75: {  	_ =	shalt  }
0x76: {  	_ =	shalt  }
0x77: {  	_ =	shalt  }
0x78: {  	_ =	shalt  }
0x79: {  	_ =	shalt  }
0x7a: {  	_ =	shalt  }
0x7b: {  	_ =	shalt  }
0x7c: {  	_ =	shalt  }
0x7d: {  	_ =	shalt  }
0x7e: {  	_ =	shalt  }
0x7f: {  	_ =	shalt  }
0x80: {  	_ =	shalt  }
0x81: {  	_ =	shalt  }
0x82: {  	_ =	shalt  }
0x83: {  	_ =	shalt  }
0x84: {  	_ =	shalt  }
0x85: {  	_ =	shalt  }
0x86: {  	_ =	shalt  }
0x87: {  	_ =	shalt  }
.Lfunc_end0:
.L_simem_size_0:
called_computation_lowered:
.L_overlay_start_0:
0x88: {  	s2 =	sld [smem:$0x3FD9]  }
0x89: {  	s3 =	sld [smem:$0x3FFE];
	_ =	sdelay $0x1  }
0x8a: {  	s1 =	srdreg.scid  }
0x8b: {  	s0 =	sand.u32 $0x1, s1  }
0x8c: {  	s15 =	sshll.u32 s0, $0xA;
	s2 =	sadd.s32 s3, s2  }
0x8d: {  	s2 =	sadd.s32 s2, s15  }
0x8e: {  	[smem:$0x3FC5] =	sst s2  }
0x8f: {  	_ = 	snop  }
0x90: {  	s2 =	sld [smem:$0x3FD0]  }
0x91: {  	s16 =	sld [smem:$0x3FC9]  }
0x92: {  	s4 =	sld [smem:$0x3FC8]  }
0x93: {  	s6 =	simm.s32 $0xA;
	s7 =	simm.s32 $0x10;
	s5 =	sld [smem:$0x3FC7]  }
0x94: {  	[smem:s7], [sflag:s6] =	dma.local [hbm:s2], $0x1  }
0x95: {  	_ =	swait.eq [sflag:s6], $0x1  }
0x96: {  	[sflag:s6] =	ssyncset.done $0x0  }
0x97: {  	s17 =	sld [smem:$0x10];
	[sflag:s6] =	ssyncadd.s32 $0xFFFFFFFF  }
0x98: {  	s18 =	sld [smem:$0x11];
	(tm) =	ssettm $0x1  }
0x99: {  	s19 =	sld [smem:$0x3FFB];
	_ =	sdelay $0x3  }
0x9a: {  	_ =	strace s19  }
0x9b: {  	s7 =	sld [smem:$0x3FFC];
	_ =	sdelay $0x3  }
0x9c: {  	_ =	strace s7  }
0x9d: {  	s7 =	sld [smem:$0x3FFD];
	_ =	sdelay $0x3  }
0x9e: {  	_ =	strace s7  }
0x9f: {  	_ =	strace $0x8FFFFFFF  }
0xa0: {  	s20 =	sld [smem:$0x3FDB];
	_ =	sdelay $0x1  }
0xa1: {  	s8 =	simm.s32 $_scs_section_size  }
0xa2: {  	s9 =	simm.s32 $_size__tile_overlayer_lowered;
	s10 =	simm.s32 $_tile_overlayer_lowered  }
0xa3: {  	s23 =	simm.s32 $0x1BFF;
	s22 =	sshll.u32 s10, $0x1;
	s7 =	sadd.s32 s8, s20  }
0xa4: {  	s11 =	simm.s32 $0x0;
	s21 =	sshll.u32 s9, $0x1;
	s9 =	sadd.s32 s22, s7  }
0xa5: {  	[timem:s11], [sflag:s23] =	dma.local [hbm:s9], s21  }
0xa6: {  	_ =	swait.ge [sflag:s23], s21  }
0xa7: {  	s8 =	ssub.s32 $0x0, s21;
	[sflag:s23] =	ssyncset.done $0x0  }
0xa8: {  	[sflag:s23] =	ssyncadd.s32 s8;
	_ =	sdelay $0x1  }
0xa9: {  	s24 =	simm.s32 $0x1B8B  }
0xaa: {  	_ =	swait.ge [sflag:s24], $0x1  }
0xab: {  	[sflag:s24] =	ssyncset.done $0x0  }
0xac: {  	s25 =	simm.s32 $0x1B8E;
	[sflag:s24] =	ssyncadd.s32 $0xFFFFFFFF  }
0xad: {  	s26 =	simm.s32 $execute0_lowered;
	[smem:$0x3FD2] =	sst s25  }
0xae: {  	s8 =	sshll.u32 s26, $0x1;
	_ =	strace $0x80000046;
	[dreg:$0x1] =	wrdreg $0xFFFFFFFF  }
0xaf: {  	s28 =	simm.s32 $_size_execute0_lowered;
	s7 =	sadd.s32 s7, s8;
	[dreg:$0x0] =	wrdreg $0x0  }
0xb0: {  	s8 =	sshll.u32 s28, $0x1;
	[dreg:$0x2] =	wrdreg s7  }
0xb1: {  	[dreg:$0x3] =	wrdreg s8  }
0xb2: {  	[dreg:$0x4] =	wrdreg $0xC0  }
0xb3: {  	_ =	task [dreg:s11], $0x5FFFF  }
0xb4: {  	[dreg:$0x1] =	wrdreg $0xFFFFFFFF  }
0xb5: {  	[dreg:$0x0] =	wrdreg $0x60  }
0xb6: {  	[dreg:$0x2] =	wrdreg s16  }
0xb7: {  	[dreg:$0x3] =	wrdreg s4  }
0xb8: {  	[dreg:$0x4] =	wrdreg s5  }
0xb9: {  	[dreg:$0x5] =	wrdreg s17  }
0xba: {  	[dreg:$0x6] =	wrdreg s18  }
0xbb: {  	[dreg:$0x7] =	wrdreg $0x6000  }
0xbc: {  	[dreg:$0x8] =	wrdreg $0x6400  }
0xbd: {  	[dreg:$0x9] =	wrdreg $0x9  }
0xbe: {  	_ =	task.clear_ibuf [dreg:s11], $0xAFFFF;
	_ =	strace $0x90000046  }
0xbf: {  	s29 =	simm.s32 $0x9;
	_ =	strace $0x80000048  }
0xc0: {  	_ =	swait.ge [sflag:s29], $0x1  }
0xc1: {  	[sflag:s29] =	ssyncadd.s32 $0xFFFFFFFF  }
0xc2: {  	_ =	strace $0x90000048  }
0xc3: {  	_ =	sfence  }
0xc4: {  	s30 =	sld [smem:$0x0];
	_ =	sdelay $0x2  }
0xc5: {  	s31 =	sshll.u32 s1, $0xD;
	s1 =	sshrl.u32 s1, $0x2  }
0xc6: {  	s3 =	sand.u32 $0x4000, s31;
	s1 =	sadd.s32 s1, s30  }
0xc7: {  	s0 =	sor.u32 s3, s0;
	s1 =	sshll.u32 s1, $0x11  }
0xc8: {  	s0 =	sor.u32 s1, s0  }
0xc9: {  	s0 =	sadd.s32 $0x8F2B, s0  }
0xca: {  	[sflag:s0] =	ssyncadd.remote.s32 $0x1  }
0xcb: {  	_ =	sfence.sel $0xFFFF  }
0xcc: {  	[dreg:$0x0] =	wrdreg $0xFFFFFFFF;
	(pc) =	sbr.abs _section_cstart, $3  }
0xcd: {  	[dreg:$0x1] =	wrdreg $0xFFFFFFFF  }
0xce: {  	_ =	task.clear_ibuf [dreg:s11], $0x2FFFF;
	_ =	strace $0x9FFFFFFF  }
0xcf: {  	(tm) =	ssettm $0x7FFFFFFF  }
tec
execute0_lowered:
.L_overlay_start_1:
0x0: {  	(tag) =	ssettag $0x1  }
0x1: {  	s0 =	rddreg [dreg:$0x0]  }
0x2: {  	s1 =	rddreg [dreg:$0x3]  }
0x3: {  	s2 =	rddreg [dreg:$0x4]  }
0x4: {  	s3 =	rddreg [dreg:$0x5]  }
0x5: {  	s4 =	rddreg [dreg:$0x6];
	s6 =	srdreg.scid  }
0x6: {  	s5 =	simm.s32 $0x0;
	s19 =	stileid.u32;
	s29 =	simm.s32 $0x5  }
0x7: {  	s20 =	simm.s32 $0x1;
	s30 =	simm.s32 $0x280;
	s31 =	simm.s32 $0x480  }
0x8: {  	s6 =	sand.u32 $0x1, s6;
	s8 =	sshll.u32 s19, $0x7;
	[smem:$0x7FF] =	sst s5  }
0x9: {  	p0 =	seq.s32 s19, $0x1;
	s28 =	sshrl.u32 s4, $0x3;
	p1 =	sne.s32 s19, $0x0  }
0xa: {  	s19 =	simm.s32 $0x2;
	s7 =	ssub.s32 $0x2, s6;
	s6 =	sshll.u32 s6, $0x6  }
0xb: {  	_ =	strace $0x80000047;
	s9 =	sshrl.u32 s7, $0x1;
	s6 =	sor.u32 s6, s8  }
0xc: {  	[dreg:$0x8] =	wrdreg s28;
	s18 =	ssub.s32 s7, s9;
	s22 =	sadd.s32 s0, s6  }
0xd: {  	s13 =	sor.u32 $0x10, s6;
	s15 =	sor.u32 $0x20, s6;
	s17 =	sor.u32 $0x30, s6  }
0xe: {  	s12 =	sadd.s32 s1, s6;
	s23 =	sadd.s32 s2, s6;
	s6 =	simm.s32 $0x3  }
0xf: {  	[dreg:$0x9] =	wrdreg s22;
	s9 =	sadd.s32 s0, s13;
	s10 =	sadd.s32 s0, s15  }
0x10: {  	s11 =	sadd.s32 s0, s17;
	s14 =	sadd.s32 s1, s13;
	s24 =	sadd.s32 s2, s13  }
.Ltmp0:
0x11: {  	s13 =	smov.u32 s23;
	s16 =	sadd.s32 s1, s15;
	(pc) =	sbr.rel .LBB2_1-.Ltmp0, $4  }
0x12: {  	s25 =	sadd.s32 s2, s15;
	s21 =	sadd.s32 s1, s17;
	s26 =	sadd.s32 s2, s17  }
0x13: {  	s18 =	smax.u32 s18, $0x1;
	s22 =	simm.s32 $0x80;
	s23 =	simm.s32 $0x100  }
0x14: {  	s1 =	simm.s32 $0x300;
	s2 =	simm.s32 $0x380;
	s15 =	smov.u32 s24  }
0x15: {  	s17 =	smov.u32 s25;
	s24 =	simm.s32 $0x180;
	s25 =	simm.s32 $0x4  }
.LBB2_4:
0x16: {  	s7 =	rddreg [dreg:$0x2]  }
0x17: {  	s28 =	rddreg [dreg:$0x8];
	s29 =	simm.s32 $0x1C45  }
0x18: {  	[spmem:s28], [sflag:s29] =	dma.local [hbm:s7], $0x80  }
0x19: {  	s29 =	simm.s32 $0x5  }
.LBB2_5:
0x1a: {  	_ =	swait.ge [sflag:s29], $0x80  }
0x1b: {  	[sflag:s29] =	ssyncset.done $0x0  }
0x1c: {  	[sflag:s29] =	ssyncadd.s32 $0xFFFFFF80  }
.LBB2_6:
0x1d: {  	s0 =	rddreg [dreg:$0x9]  }
0x1e: {  	[tilespmem:s5], [sflag:$0x4] =	stream.linear.gather [hbm4b:s0+s5], $0x80, $0x38;
	[tilespmem:$0x680] =	vst v63  }
0x1f: {  	_ = 	snop  }
0x20: {  	[tilespmem:s22], [sflag:$0x4] =	stream.linear.gather [hbm4b:s9+s5], $0x80, $0x38;
	[tilespmem:$0x680] =	vst v63  }
0x21: {  	_ = 	snop  }
0x22: {  	[tilespmem:s23], [sflag:$0x4] =	stream.linear.gather [hbm4b:s10+s5], $0x80, $0x38;
	[tilespmem:$0x680] =	vst v63  }
0x23: {  	_ = 	snop  }
0x24: {  	[tilespmem:s24], [sflag:$0x4] =	stream.linear.gather [hbm4b:s11+s5], $0x80, $0x38;
	[tilespmem:$0x680] =	vst v63  }
0x25: {  	[bflag:$0x0] =	sbarrier.arrive $0xFFFF  }
0x26: {  	_ =	swait.ge [sflag:s25], $0x80  }
0x27: {  	[sflag:s25] =	ssyncset.done $0x0  }
0x28: {  	s7 =	simm.s32 $0x200;
	[sflag:s25] =	ssyncadd.s32 $0xFFFFFF80  }
0x29: {  	[tilespmem:s7], [sflag:$0x1] =	stream.indirect.gather [spmem:s3], $0x1, s5, s22, $0xb8;
	[tilespmem:$0x680] =	vst v63  }
0x2a: {  	s28 =	simm.s32 $0x400  }
0x2b: {  	[tilespmem:s28], [sflag:$0x2] =	stream.indirect.gather [spmem:s4], $0x1, s5, s22, $0xb8;
	[tilespmem:$0x680] =	vst v63  }
0x2c: {  	_ =	swait.ge [sflag:s25], $0x80  }
0x2d: {  	[sflag:s25] =	ssyncset.done $0x0  }
0x2e: {  	[sflag:s25] =	ssyncadd.s32 $0xFFFFFF80  }
0x2f: {  	[tilespmem:s30], [sflag:$0x1] =	stream.indirect.gather [spmem:s3], $0x1, s22, s22, $0xb8;
	[tilespmem:$0x680] =	vst v63  }
0x30: {  	_ = 	snop  }
0x31: {  	[tilespmem:s31], [sflag:$0x2] =	stream.indirect.gather [spmem:s4], $0x1, s22, s22, $0xb8;
	[tilespmem:$0x680] =	vst v63  }
0x32: {  	_ =	swait.ge [sflag:s25], $0x80  }
0x33: {  	[sflag:s25] =	ssyncset.done $0x0  }
0x34: {  	[sflag:s25] =	ssyncadd.s32 $0xFFFFFF80  }
0x35: {  	[tilespmem:s1], [sflag:$0x1] =	stream.indirect.gather [spmem:s3], $0x1, s23, s22, $0xb8;
	[tilespmem:$0x680] =	vst v63  }
0x36: {  	s0 =	simm.s32 $0x500  }
0x37: {  	[tilespmem:s0], [sflag:$0x2] =	stream.indirect.gather [spmem:s4], $0x1, s23, s22, $0xb8;
	[tilespmem:$0x680] =	vst v63  }
0x38: {  	_ =	swait.ge [sflag:s25], $0x80  }
0x39: {  	[sflag:s25] =	ssyncset.done $0x0  }
0x3a: {  	[sflag:s25] =	ssyncadd.s32 $0xFFFFFF80  }
0x3b: {  	[tilespmem:s2], [sflag:$0x1] =	stream.indirect.gather [spmem:s3], $0x1, s24, s22, $0xb8;
	[tilespmem:$0x680] =	vst v63  }
0x3c: {  	s8 =	simm.s32 $0x580  }
0x3d: {  	[tilespmem:s8], [sflag:$0x2] =	stream.indirect.gather [spmem:s4], $0x1, s24, s22, $0xb8;
	[tilespmem:$0x680] =	vst v63  }
0x3e: {  	_ =	swait.ge [sflag:s20], $0x80  }
0x3f: {  	[sflag:s20] =	ssyncset.done $0x0  }
0x40: {  	[sflag:s20] =	ssyncadd.s32 $0xFFFFFF80  }
0x41: {  	[hbm4b:s12+s5] =	stream.linear.scatter [tilespmem:s7], [sflag:$0x3], $0x80, $0x38;
	[tilespmem:$0x680] =	vst v63  }
0x42: {  	_ =	swait.ge [sflag:s19], $0x80  }
0x43: {  	[sflag:s19] =	ssyncset.done $0x0  }
0x44: {  	[sflag:s19] =	ssyncadd.s32 $0xFFFFFF80  }
0x45: {  	[hbm4b:s13+s5] =	stream.linear.scatter [tilespmem:s28], [sflag:$0x3], $0x80, $0x38;
	[tilespmem:$0x680] =	vst v63  }
0x46: {  	_ =	swait.ge [sflag:s20], $0x80  }
0x47: {  	[sflag:s20] =	ssyncset.done $0x0  }
0x48: {  	[sflag:s20] =	ssyncadd.s32 $0xFFFFFF80  }
0x49: {  	[hbm4b:s14+s5] =	stream.linear.scatter [tilespmem:s30], [sflag:$0x3], $0x80, $0x38;
	[tilespmem:$0x680] =	vst v63  }
0x4a: {  	_ =	swait.ge [sflag:s19], $0x80  }
0x4b: {  	[sflag:s19] =	ssyncset.done $0x0  }
0x4c: {  	[sflag:s19] =	ssyncadd.s32 $0xFFFFFF80  }
0x4d: {  	[hbm4b:s15+s5] =	stream.linear.scatter [tilespmem:s31], [sflag:$0x3], $0x80, $0x38;
	[tilespmem:$0x680] =	vst v63  }
0x4e: {  	_ =	swait.ge [sflag:s20], $0x80  }
0x4f: {  	[sflag:s20] =	ssyncset.done $0x0  }
0x50: {  	[sflag:s20] =	ssyncadd.s32 $0xFFFFFF80  }
0x51: {  	[hbm4b:s16+s5] =	stream.linear.scatter [tilespmem:s1], [sflag:$0x3], $0x80, $0x38;
	[tilespmem:$0x680] =	vst v63  }
0x52: {  	_ =	swait.ge [sflag:s19], $0x80  }
0x53: {  	[sflag:s19] =	ssyncset.done $0x0  }
0x54: {  	[sflag:s19] =	ssyncadd.s32 $0xFFFFFF80  }
0x55: {  	[hbm4b:s17+s5] =	stream.linear.scatter [tilespmem:s0], [sflag:$0x3], $0x80, $0x38;
	[tilespmem:$0x680] =	vst v63  }
0x56: {  	_ =	swait.ge [sflag:s20], $0x80  }
0x57: {  	[sflag:s20] =	ssyncset.done $0x0  }
0x58: {  	[sflag:s20] =	ssyncadd.s32 $0xFFFFFF80  }
0x59: {  	[hbm4b:s21+s5] =	stream.linear.scatter [tilespmem:s2], [sflag:$0x3], $0x80, $0x38;
	[tilespmem:$0x680] =	vst v63  }
0x5a: {  	_ =	swait.ge [sflag:s19], $0x80  }
0x5b: {  	[sflag:s19] =	ssyncset.done $0x0  }
0x5c: {  	[sflag:s19] =	ssyncadd.s32 $0xFFFFFF80  }
0x5d: {  	[hbm4b:s26+s5] =	stream.linear.scatter [tilespmem:s8], [sflag:$0x3], $0x80, $0x38;
	[tilespmem:$0x680] =	vst v63  }
0x5e: {  	_ =	swait.ge [sflag:s6], $0x80  }
0x5f: {  	[sflag:s6] =	ssyncset.done $0x0  }
0x60: {  	[sflag:s6] =	ssyncadd.s32 $0xFFFFFF80  }
0x61: {  	_ =	swait.ge [sflag:s6], $0x80  }
0x62: {  	[sflag:s6] =	ssyncset.done $0x0  }
0x63: {  	[sflag:s6] =	ssyncadd.s32 $0xFFFFFF80  }
0x64: {  	_ =	swait.ge [sflag:s6], $0x80  }
0x65: {  	[sflag:s6] =	ssyncset.done $0x0  }
0x66: {  	[sflag:s6] =	ssyncadd.s32 $0xFFFFFF80  }
0x67: {  	_ =	swait.ge [sflag:s6], $0x80  }
0x68: {  	[sflag:s6] =	ssyncset.done $0x0  }
0x69: {  	[sflag:s6] =	ssyncadd.s32 $0xFFFFFF80  }
0x6a: {  	_ =	swait.ge [sflag:s6], $0x80  }
0x6b: {  	[sflag:s6] =	ssyncset.done $0x0  }
0x6c: {  	[sflag:s6] =	ssyncadd.s32 $0xFFFFFF80  }
0x6d: {  	_ =	swait.ge [sflag:s6], $0x80  }
0x6e: {  	[sflag:s6] =	ssyncset.done $0x0  }
0x6f: {  	s18 =	sadd.s32 $0xFFFFFFFF, s18;
	[sflag:s6] =	ssyncadd.s32 $0xFFFFFF80  }
0x70: {  	p2 =	sne.s32 s18, $0x0;
	_ =	swait.ge [sflag:s6], $0x80  }
.Ltmp1:
0x71: {  	[sflag:s6] =	ssyncset.done $0x0;
	(pc) =	sbr.rel @!p2 .LBB2_7-.Ltmp1, $4  }
0x72: {  	[sflag:s6] =	ssyncadd.s32 $0xFFFFFF80  }
0x73: {  	_ =	swait.ge [sflag:s6], $0x80  }
0x74: {  	[sflag:s6] =	ssyncset.done $0x0  }
0x75: {  	[sflag:s6] =	ssyncadd.s32 $0xFFFFFF80  }
.LBB2_1:
.Ltmp2:
0x76: {  	(pc) =	sbr.rel @p0 .LBB2_4-.Ltmp2, $1  }
0x77: {  	_ =	sdelay $0x3  }
.Ltmp3:
0x78: {  	(pc) =	sbr.rel @p1 .LBB2_6-.Ltmp3, $1  }
0x79: {  	_ =	sdelay $0x3  }
0x7a: {  	s7 =	sshrl.u32 s3, $0x3  }
0x7b: {  	s28 =	smov.u32 s26;
	s26 =	smov.u32 s21;
	s21 =	smov.u32 s17  }
0x7c: {  	s17 =	smov.u32 s16;
	s16 =	smov.u32 s15;
	s15 =	smov.u32 s14  }
0x7d: {  	s14 =	smov.u32 s13;
	s13 =	smov.u32 s12;
	s11 =	smov.u32 s11  }
.Ltmp4:
0x7e: {  	s8 =	rddreg [dreg:$0x1];
	s0 =	simm.s32 $0x1C05;
	(pc) =	sbr.rel .LBB2_5-.Ltmp4, $4  }
0x7f: {  	[spmem:s7], [sflag:s0] =	dma.local [hbm:s8], $0x80  }
0x80: {  	s11 =	smov.u32 s11;
	s12 =	smov.u32 s13;
	s13 =	smov.u32 s14  }
0x81: {  	s14 =	smov.u32 s15;
	s15 =	smov.u32 s16;
	s16 =	smov.u32 s17  }
0x82: {  	s17 =	smov.u32 s21;
	s21 =	smov.u32 s26;
	s26 =	smov.u32 s28  }
.LBB2_7:
0x83: {  	_ =	sfence.sel $0x180000  }
0x84: {  	[bflag:$0x0] =	sbarrier.arrive $0xFFFF  }
0x85: {  	_ =	strace $0x90000047  }
0x86: {  	[bflag:$0x2] =	sbarrier.arrive $0xFFFF  }
0x87: {  	s0 =	rddreg [dreg:$0x7]  }
0x88: {  	s0 =	sadd.s32 @!p1 $0x100000, s0  }
0x89: {  	[sflag:s0] =	ssyncadd.tile.s32 @!p1 $0x1;
	_ =	shalt  }
.Lfunc_end2:
_tile_overlayer_lowered:
.L_overlay_start_2:
0x8a: {  	(tag) =	ssettag $0x2  }
0x8b: {  	s0 =	rddreg [dreg:$0x0];
	s2 =	stileid.u32  }
0x8c: {  	s1 =	rddreg [dreg:$0x1];
	p0 =	sne.s32 s2, $0x0  }
0x8d: {  	s3 =	rddreg [dreg:$0x2];
	[bflag:$0x3] =	sbarrier.arrive $0xFFFF;
	s2 =	simm.s32 @!p0 $0x1C05  }
0x8e: {  	[timem:s3], [sflag:s2] =	dma.local @!p0 [hbm:s0], s1  }
0x8f: {  	s0 =	simm.s32 @!p0 $0x5  }
0x90: {  	_ =	swait.ge @!p0 [sflag:s0], s1  }
0x91: {  	s1 =	ssub.s32 @!p0 $0x0, s1;
	[sflag:s0] =	ssyncset.done @!p0 $0x0  }
0x92: {  	[sflag:s0] =	ssyncadd.s32 @!p0 s1  }
0x93: {  	[bflag:$0x3] =	sbarrier.arrive $0xFFFF  }
0x94: {  	_ =	shalt  }

</sc_bundles>
